<compile_context>
chip_gen: v7x
topology: tpu7x:2x2x1
jax: 0.10.2.dev20260603
libtpu: 0.0.44.dev20260713+nightly
codegen_flags: <defaults>
</compile_context>

<pallas_src>
import functools

import jax
import jax.numpy as jnp
from jax import lax
from jax.experimental import pallas as pl
from jax.experimental.pallas import tpu as pltpu
from jax.experimental.pallas import tpu_sc as plsc


@functools.lru_cache(maxsize=None)
def _make_gather(V, D, B):
  info = plsc.get_sparse_core_info()
  NC, NS = info.num_cores, info.num_subcores
  NW = NC * NS
  assert B % NW == 0
  b_per_w = B // NW
  K = 16
  NBUF = 3
  n_chunks = b_per_w // K
  assert b_per_w % K == 0 and n_chunks >= 2 * NBUF
  mesh = plsc.VectorSubcoreMesh(core_axis_name="c", subcore_axis_name="s")

  @functools.partial(
      pl.kernel,
      mesh=mesh,
      out_type=jax.ShapeDtypeStruct((B, D), jnp.float32),
      scratch_types=[
          pltpu.VMEM((b_per_w,), jnp.int32),
      ]
      + [pltpu.VMEM((K, D), jnp.float32) for _ in range(NBUF)]
      + [pltpu.SemaphoreType.DMA for _ in range(2 * NBUF)],
  )
  def k(idx_hbm, table_hbm, out_hbm, idx_v, *bufs_and_sems):
    bufs = bufs_and_sems[:NBUF]
    gsem = bufs_and_sems[NBUF : 2 * NBUF]
    wsem = bufs_and_sems[2 * NBUF :]
    wid = lax.axis_index("s") * NC + lax.axis_index("c")
    base = wid * b_per_w
    pltpu.sync_copy(idx_hbm.at[pl.ds(base, b_per_w)], idx_v)

    def gather(off, b):
      pltpu.async_copy(table_hbm.at[idx_v.at[pl.ds(off, K)]], bufs[b], gsem[b])

    def gwait(b):
      pltpu.make_async_copy(table_hbm.at[pl.ds(0, K)], bufs[b], gsem[b]).wait()

    def wstart(off, b):
      pltpu.async_copy(bufs[b], out_hbm.at[pl.ds(base + off, K)], wsem[b])

    def wwait(b):
      pltpu.make_async_copy(
          table_hbm.at[pl.ds(0, K)], bufs[b], wsem[b]
      ).wait()

    def gstep(ch, b):
      gwait(b)
      wstart(ch * K, b)
      wwait((b + 2) % 3)
      gather((ch + 2) * K, (b + 2) % 3)

    gather(0, 0)
    gather(K, 1)
    gwait(0)
    wstart(0, 0)
    gather(2 * K, 2)

    m = (n_chunks - 3) // 3

    def body(i, carry):
      ch = 1 + 3 * i
      gstep(ch, 1)
      gstep(ch + 1, 2)
      gstep(ch + 2, 0)
      return carry

    lax.fori_loop(0, m, body, 0)
    for ch in range(1 + 3 * m, n_chunks - 2):
      gstep(ch, ch % 3)
    for ch in (n_chunks - 2, n_chunks - 1):
      gwait(ch % 3)
      wstart(ch * K, ch % 3)
    for ch in (n_chunks - 3, n_chunks - 2, n_chunks - 1):
      wwait(ch % 3)

  return k


def kernel(x, table):
  V, D = table.shape
  B = x.size
  flat_idx = x.reshape((B,)).astype(jnp.int32)
  out = _make_gather(V, D, B)(flat_idx, table)
  return out.reshape(x.shape + (D,))

# --- scband reference (transcript-rebuilt; emitter-appended) ---
"""Pipeline reference for scband-token-embed-63513976373304 (READ-ONLY COPY).

The authoritative reference and input builder live on the scoring server;
editing this copy changes nothing except your own understanding.
"""

import jax, jax.numpy as jnp
import numpy as np

VOCAB = 32000
D = 2048

def setup_inputs(seed: int = 0) -> dict:
    key = jax.random.key(seed)
    k1, k2 = jax.random.split(key)
    x = jax.random.randint(k1, (4, 4096), 0, VOCAB, dtype=jnp.int64 if jax.config.jax_enable_x64 else jnp.int32)
    table = jax.random.normal(k2, (VOCAB, D), dtype=jnp.float32) * 0.02
    return {"x": x, "table": table}

def reference(x, table):
    # Embedding lookup: gather rows of table by token id
    return jnp.take(table, x, axis=0)

if __name__ == "__main__":
    import jax
    _d = setup_inputs()
    print(jax.jit(kernel)(*tuple(_d.values())))

</pallas_src>

<mosaic_0001>
#map = affine_map<(d0, d1) -> (0)>
#map1 = affine_map<(d0, d1) -> (0, 0)>
module attributes {stable_mosaic.version = 14 : i64} {
  func.func @k(%arg0: i32, %arg1: i32, %arg2: memref<16384xi32, #tpu.memory_space<hbm>>, %arg3: memref<32000x2048xf32, #tpu.memory_space<hbm>>, %arg4: memref<16384x2048xf32, #tpu.memory_space<hbm>>, %arg5: memref<512xi32, #tpu.memory_space<vmem>>, %arg6: memref<16x2048xf32, #tpu.memory_space<vmem>>, %arg7: memref<16x2048xf32, #tpu.memory_space<vmem>>, %arg8: memref<16x2048xf32, #tpu.memory_space<vmem>>, %arg9: memref<!tpu.dma_semaphore, #tpu.memory_space<semaphore_mem>>, %arg10: memref<!tpu.dma_semaphore, #tpu.memory_space<semaphore_mem>>, %arg11: memref<!tpu.dma_semaphore, #tpu.memory_space<semaphore_mem>>, %arg12: memref<!tpu.dma_semaphore, #tpu.memory_space<semaphore_mem>>, %arg13: memref<!tpu.dma_semaphore, #tpu.memory_space<semaphore_mem>>, %arg14: memref<!tpu.dma_semaphore, #tpu.memory_space<semaphore_mem>>) attributes {dimension_semantics = [#tpu.dimension_semantics<core_parallel>, #tpu.dimension_semantics<subcore_parallel>], iteration_bounds = array<i64: 2, 16>, scalar_prefetch = 0 : i64, scratch_operands = 10 : i64, tpu.core_type = #tpu.core_type<sc_vector_subcore>, window_params = [{transform_indices = #map}, {transform_indices = #map1}, {transform_indices = #map1}]} {
    %mul3A = arith.constant 2 : i32
    %mul3A_0 = arith.muli %arg1, %mul3A : i32
    %add3A = arith.addi %mul3A_0, %arg0 : i32
    %mul3A_1 = arith.constant 512 : i32
    %mul3A_2 = arith.muli %add3A, %mul3A_1 : i32
    "tpu.region"() ({
      %run_scoped3A = tpu.sem_alloc : memref<!tpu.dma_semaphore, #tpu.memory_space<semaphore_mem>>
      %dma_start3A_121 = tpu.memref_slice %arg2[%mul3A_2] : memref<16384xi32, #tpu.memory_space<hbm>> -> memref<512xi32, #tpu.memory_space<hbm>>
      %dma_start3A_122 = tpu.memref_slice %arg2[%mul3A_2] : memref<16384xi32, #tpu.memory_space<hbm>> -> memref<512xi32, #tpu.memory_space<hbm>>
      tpu.enqueue_dma source(%dma_start3A_122 : memref<512xi32, #tpu.memory_space<hbm>>) target(%arg5 : memref<512xi32, #tpu.memory_space<vmem>>) target_semaphore(%run_scoped3A : memref<!tpu.dma_semaphore, #tpu.memory_space<semaphore_mem>>)
      %dma_wait3A_123 = tpu.memref_slice %arg2[%mul3A_2] : memref<16384xi32, #tpu.memory_space<hbm>> -> memref<512xi32, #tpu.memory_space<hbm>>
      %dma_wait3A_124 = tpu.memref_slice %arg2[%mul3A_2] : memref<16384xi32, #tpu.memory_space<hbm>> -> memref<512xi32, #tpu.memory_space<hbm>>
      tpu.wait_dma2 semaphore(%run_scoped3A : memref<!tpu.dma_semaphore, #tpu.memory_space<semaphore_mem>>) src(%dma_wait3A_124 : memref<512xi32, #tpu.memory_space<hbm>>) dst(%arg5 : memref<512xi32, #tpu.memory_space<vmem>>)
      tpu.yield
    }) : () -> ()
    %dma_start3A = arith.constant 0 : i32
    %dma_start3A_3 = tpu.memref_slice %arg5[%dma_start3A] : memref<512xi32, #tpu.memory_space<vmem>> -> memref<16xi32, #tpu.memory_space<vmem>>
    %dma_start3A_4 = arith.constant 0 : i32
    %dma_start3A_5 = arith.constant 0 : i32
    %dma_start3A_6 = tpu.memref_slice %arg3[%dma_start3A_4, %dma_start3A_5] : memref<32000x2048xf32, #tpu.memory_space<hbm>> -> memref<32000x2048xf32, #tpu.memory_space<hbm>>
    tpu.enqueue_indirect_dma source(%dma_start3A_6 : memref<32000x2048xf32, #tpu.memory_space<hbm>>) target(%arg6 : memref<16x2048xf32, #tpu.memory_space<vmem>>) offsets(%dma_start3A_3 : memref<16xi32, #tpu.memory_space<vmem>>) semaphore(%arg9 : memref<!tpu.dma_semaphore, #tpu.memory_space<semaphore_mem>>)
    %dma_start3A_7 = arith.constant 16 : i32
    %dma_start3A_8 = tpu.memref_slice %arg5[%dma_start3A_7] : memref<512xi32, #tpu.memory_space<vmem>> -> memref<16xi32, #tpu.memory_space<vmem>>
    %dma_start3A_9 = arith.constant 0 : i32
    %dma_start3A_10 = arith.constant 0 : i32
    %dma_start3A_11 = tpu.memref_slice %arg3[%dma_start3A_9, %dma_start3A_10] : memref<32000x2048xf32, #tpu.memory_space<hbm>> -> memref<32000x2048xf32, #tpu.memory_space<hbm>>
    tpu.enqueue_indirect_dma source(%dma_start3A_11 : memref<32000x2048xf32, #tpu.memory_space<hbm>>) target(%arg7 : memref<16x2048xf32, #tpu.memory_space<vmem>>) offsets(%dma_start3A_8 : memref<16xi32, #tpu.memory_space<vmem>>) semaphore(%arg10 : memref<!tpu.dma_semaphore, #tpu.memory_space<semaphore_mem>>)
    %dma_wait3A = arith.constant 0 : i32
    %dma_wait3A_12 = arith.constant 0 : i32
    %dma_wait3A_13 = tpu.memref_slice %arg3[%dma_wait3A, %dma_wait3A_12] : memref<32000x2048xf32, #tpu.memory_space<hbm>> -> memref<16x2048xf32, #tpu.memory_space<hbm>>
    %dma_wait3A_14 = arith.constant 0 : i32
    %dma_wait3A_15 = arith.constant 0 : i32
    %dma_wait3A_16 = tpu.memref_slice %arg3[%dma_wait3A_14, %dma_wait3A_15] : memref<32000x2048xf32, #tpu.memory_space<hbm>> -> memref<16x2048xf32, #tpu.memory_space<hbm>>
    tpu.wait_dma2 semaphore(%arg9 : memref<!tpu.dma_semaphore, #tpu.memory_space<semaphore_mem>>) src(%dma_wait3A_16 : memref<16x2048xf32, #tpu.memory_space<hbm>>) dst(%arg6 : memref<16x2048xf32, #tpu.memory_space<vmem>>)
    %add3A_17 = arith.constant 0 : i32
    %add3A_18 = arith.addi %mul3A_2, %add3A_17 : i32
    %dma_start3A_19 = arith.constant 0 : i32
    %dma_start3A_20 = tpu.memref_slice %arg4[%add3A_18, %dma_start3A_19] : memref<16384x2048xf32, #tpu.memory_space<hbm>> -> memref<16x2048xf32, #tpu.memory_space<hbm>>
    %dma_start3A_21 = arith.constant 0 : i32
    %dma_start3A_22 = tpu.memref_slice %arg4[%add3A_18, %dma_start3A_21] : memref<16384x2048xf32, #tpu.memory_space<hbm>> -> memref<16x2048xf32, #tpu.memory_space<hbm>>
    tpu.enqueue_dma source(%arg6 : memref<16x2048xf32, #tpu.memory_space<vmem>>) target(%dma_start3A_22 : memref<16x2048xf32, #tpu.memory_space<hbm>>) target_semaphore(%arg12 : memref<!tpu.dma_semaphore, #tpu.memory_space<semaphore_mem>>)
    %dma_start3A_23 = arith.constant 32 : i32
    %dma_start3A_24 = tpu.memref_slice %arg5[%dma_start3A_23] : memref<512xi32, #tpu.memory_space<vmem>> -> memref<16xi32, #tpu.memory_space<vmem>>
    %dma_start3A_25 = arith.constant 0 : i32
    %dma_start3A_26 = arith.constant 0 : i32
    %dma_start3A_27 = tpu.memref_slice %arg3[%dma_start3A_25, %dma_start3A_26] : memref<32000x2048xf32, #tpu.memory_space<hbm>> -> memref<32000x2048xf32, #tpu.memory_space<hbm>>
    tpu.enqueue_indirect_dma source(%dma_start3A_27 : memref<32000x2048xf32, #tpu.memory_space<hbm>>) target(%arg8 : memref<16x2048xf32, #tpu.memory_space<vmem>>) offsets(%dma_start3A_24 : memref<16xi32, #tpu.memory_space<vmem>>) semaphore(%arg11 : memref<!tpu.dma_semaphore, #tpu.memory_space<semaphore_mem>>)
    %scan3A = arith.constant 0 : i32
    %scan3A_28 = arith.constant 0 : i32
    %scan3A_29 = arith.constant 9 : i32
    %scan3A_30 = arith.addi %scan3A_28, %scan3A_29 : i32
    %scan3A_31 = arith.constant 1 : i32
    scf.for %scan3A_121 = %scan3A_28 to %scan3A_30 step %scan3A_31  : i32 {
      %mul3A_122 = arith.constant 3 : i32
      %mul3A_123 = arith.muli %mul3A_122, %scan3A_121 : i32
      %add3A_124 = arith.constant 1 : i32
      %add3A_125 = arith.addi %add3A_124, %mul3A_123 : i32
      %dma_wait3A_126 = arith.constant 0 : i32
      %dma_wait3A_127 = arith.constant 0 : i32
      %dma_wait3A_128 = tpu.memref_slice %arg3[%dma_wait3A_126, %dma_wait3A_127] : memref<32000x2048xf32, #tpu.memory_space<hbm>> -> memref<16x2048xf32, #tpu.memory_space<hbm>>
      %dma_wait3A_129 = arith.constant 0 : i32
      %dma_wait3A_130 = arith.constant 0 : i32
      %dma_wait3A_131 = tpu.memref_slice %arg3[%dma_wait3A_129, %dma_wait3A_130] : memref<32000x2048xf32, #tpu.memory_space<hbm>> -> memref<16x2048xf32, #tpu.memory_space<hbm>>
      tpu.wait_dma2 semaphore(%arg10 : memref<!tpu.dma_semaphore, #tpu.memory_space<semaphore_mem>>) src(%dma_wait3A_131 : memref<16x2048xf32, #tpu.memory_space<hbm>>) dst(%arg7 : memref<16x2048xf32, #tpu.memory_space<vmem>>)
      %mul3A_132 = arith.constant 16 : i32
      %mul3A_133 = arith.muli %add3A_125, %mul3A_132 : i32
      %add3A_134 = arith.addi %mul3A_2, %mul3A_133 : i32
      %dma_start3A_135 = arith.constant 0 : i32
      %dma_start3A_136 = tpu.memref_slice %arg4[%add3A_134, %dma_start3A_135] : memref<16384x2048xf32, #tpu.memory_space<hbm>> -> memref<16x2048xf32, #tpu.memory_space<hbm>>
      %dma_start3A_137 = arith.constant 0 : i32
      %dma_start3A_138 = tpu.memref_slice %arg4[%add3A_134, %dma_start3A_137] : memref<16384x2048xf32, #tpu.memory_space<hbm>> -> memref<16x2048xf32, #tpu.memory_space<hbm>>
      tpu.enqueue_dma source(%arg7 : memref<16x2048xf32, #tpu.memory_space<vmem>>) target(%dma_start3A_138 : memref<16x2048xf32, #tpu.memory_space<hbm>>) target_semaphore(%arg13 : memref<!tpu.dma_semaphore, #tpu.memory_space<semaphore_mem>>)
      %dma_wait3A_139 = arith.constant 0 : i32
      %dma_wait3A_140 = arith.constant 0 : i32
      %dma_wait3A_141 = tpu.memref_slice %arg3[%dma_wait3A_139, %dma_wait3A_140] : memref<32000x2048xf32, #tpu.memory_space<hbm>> -> memref<16x2048xf32, #tpu.memory_space<hbm>>
      %dma_wait3A_142 = arith.constant 0 : i32
      %dma_wait3A_143 = arith.constant 0 : i32
      %dma_wait3A_144 = tpu.memref_slice %arg3[%dma_wait3A_142, %dma_wait3A_143] : memref<32000x2048xf32, #tpu.memory_space<hbm>> -> memref<16x2048xf32, #tpu.memory_space<hbm>>
      tpu.wait_dma2 semaphore(%arg12 : memref<!tpu.dma_semaphore, #tpu.memory_space<semaphore_mem>>) src(%dma_wait3A_144 : memref<16x2048xf32, #tpu.memory_space<hbm>>) dst(%arg6 : memref<16x2048xf32, #tpu.memory_space<vmem>>)
      %add3A_145 = arith.constant 2 : i32
      %add3A_146 = arith.addi %add3A_125, %add3A_145 : i32
      %mul3A_147 = arith.constant 16 : i32
      %mul3A_148 = arith.muli %add3A_146, %mul3A_147 : i32
      %dma_start3A_149 = tpu.memref_slice %arg5[%mul3A_148] : memref<512xi32, #tpu.memory_space<vmem>> -> memref<16xi32, #tpu.memory_space<vmem>>
      %dma_start3A_150 = arith.constant 0 : i32
      %dma_start3A_151 = arith.constant 0 : i32
      %dma_start3A_152 = tpu.memref_slice %arg3[%dma_start3A_150, %dma_start3A_151] : memref<32000x2048xf32, #tpu.memory_space<hbm>> -> memref<32000x2048xf32, #tpu.memory_space<hbm>>
      tpu.enqueue_indirect_dma source(%dma_start3A_152 : memref<32000x2048xf32, #tpu.memory_space<hbm>>) target(%arg6 : memref<16x2048xf32, #tpu.memory_space<vmem>>) offsets(%dma_start3A_149 : memref<16xi32, #tpu.memory_space<vmem>>) semaphore(%arg9 : memref<!tpu.dma_semaphore, #tpu.memory_space<semaphore_mem>>)
      %add3A_153 = arith.constant 1 : i32
      %add3A_154 = arith.addi %add3A_125, %add3A_153 : i32
      %dma_wait3A_155 = arith.constant 0 : i32
      %dma_wait3A_156 = arith.constant 0 : i32
      %dma_wait3A_157 = tpu.memref_slice %arg3[%dma_wait3A_155, %dma_wait3A_156] : memref<32000x2048xf32, #tpu.memory_space<hbm>> -> memref<16x2048xf32, #tpu.memory_space<hbm>>
      %dma_wait3A_158 = arith.constant 0 : i32
      %dma_wait3A_159 = arith.constant 0 : i32
      %dma_wait3A_160 = tpu.memref_slice %arg3[%dma_wait3A_158, %dma_wait3A_159] : memref<32000x2048xf32, #tpu.memory_space<hbm>> -> memref<16x2048xf32, #tpu.memory_space<hbm>>
      tpu.wait_dma2 semaphore(%arg11 : memref<!tpu.dma_semaphore, #tpu.memory_space<semaphore_mem>>) src(%dma_wait3A_160 : memref<16x2048xf32, #tpu.memory_space<hbm>>) dst(%arg8 : memref<16x2048xf32, #tpu.memory_space<vmem>>)
      %mul3A_161 = arith.constant 16 : i32
      %mul3A_162 = arith.muli %add3A_154, %mul3A_161 : i32
      %add3A_163 = arith.addi %mul3A_2, %mul3A_162 : i32
      %dma_start3A_164 = arith.constant 0 : i32
      %dma_start3A_165 = tpu.memref_slice %arg4[%add3A_163, %dma_start3A_164] : memref<16384x2048xf32, #tpu.memory_space<hbm>> -> memref<16x2048xf32, #tpu.memory_space<hbm>>
      %dma_start3A_166 = arith.constant 0 : i32
      %dma_start3A_167 = tpu.memref_slice %arg4[%add3A_163, %dma_start3A_166] : memref<16384x2048xf32, #tpu.memory_space<hbm>> -> memref<16x2048xf32, #tpu.memory_space<hbm>>
      tpu.enqueue_dma source(%arg8 : memref<16x2048xf32, #tpu.memory_space<vmem>>) target(%dma_start3A_167 : memref<16x2048xf32, #tpu.memory_space<hbm>>) target_semaphore(%arg14 : memref<!tpu.dma_semaphore, #tpu.memory_space<semaphore_mem>>)
      %dma_wait3A_168 = arith.constant 0 : i32
      %dma_wait3A_169 = arith.constant 0 : i32
      %dma_wait3A_170 = tpu.memref_slice %arg3[%dma_wait3A_168, %dma_wait3A_169] : memref<32000x2048xf32, #tpu.memory_space<hbm>> -> memref<16x2048xf32, #tpu.memory_space<hbm>>
      %dma_wait3A_171 = arith.constant 0 : i32
      %dma_wait3A_172 = arith.constant 0 : i32
      %dma_wait3A_173 = tpu.memref_slice %arg3[%dma_wait3A_171, %dma_wait3A_172] : memref<32000x2048xf32, #tpu.memory_space<hbm>> -> memref<16x2048xf32, #tpu.memory_space<hbm>>
      tpu.wait_dma2 semaphore(%arg13 : memref<!tpu.dma_semaphore, #tpu.memory_space<semaphore_mem>>) src(%dma_wait3A_173 : memref<16x2048xf32, #tpu.memory_space<hbm>>) dst(%arg7 : memref<16x2048xf32, #tpu.memory_space<vmem>>)
      %add3A_174 = arith.constant 2 : i32
      %add3A_175 = arith.addi %add3A_154, %add3A_174 : i32
      %mul3A_176 = arith.constant 16 : i32
      %mul3A_177 = arith.muli %add3A_175, %mul3A_176 : i32
      %dma_start3A_178 = tpu.memref_slice %arg5[%mul3A_177] : memref<512xi32, #tpu.memory_space<vmem>> -> memref<16xi32, #tpu.memory_space<vmem>>
      %dma_start3A_179 = arith.constant 0 : i32
      %dma_start3A_180 = arith.constant 0 : i32
      %dma_start3A_181 = tpu.memref_slice %arg3[%dma_start3A_179, %dma_start3A_180] : memref<32000x2048xf32, #tpu.memory_space<hbm>> -> memref<32000x2048xf32, #tpu.memory_space<hbm>>
      tpu.enqueue_indirect_dma source(%dma_start3A_181 : memref<32000x2048xf32, #tpu.memory_space<hbm>>) target(%arg7 : memref<16x2048xf32, #tpu.memory_space<vmem>>) offsets(%dma_start3A_178 : memref<16xi32, #tpu.memory_space<vmem>>) semaphore(%arg10 : memref<!tpu.dma_semaphore, #tpu.memory_space<semaphore_mem>>)
      %add3A_182 = arith.constant 2 : i32
      %add3A_183 = arith.addi %add3A_125, %add3A_182 : i32
      %dma_wait3A_184 = arith.constant 0 : i32
      %dma_wait3A_185 = arith.constant 0 : i32
      %dma_wait3A_186 = tpu.memref_slice %arg3[%dma_wait3A_184, %dma_wait3A_185] : memref<32000x2048xf32, #tpu.memory_space<hbm>> -> memref<16x2048xf32, #tpu.memory_space<hbm>>
      %dma_wait3A_187 = arith.constant 0 : i32
      %dma_wait3A_188 = arith.constant 0 : i32
      %dma_wait3A_189 = tpu.memref_slice %arg3[%dma_wait3A_187, %dma_wait3A_188] : memref<32000x2048xf32, #tpu.memory_space<hbm>> -> memref<16x2048xf32, #tpu.memory_space<hbm>>
      tpu.wait_dma2 semaphore(%arg9 : memref<!tpu.dma_semaphore, #tpu.memory_space<semaphore_mem>>) src(%dma_wait3A_189 : memref<16x2048xf32, #tpu.memory_space<hbm>>) dst(%arg6 : memref<16x2048xf32, #tpu.memory_space<vmem>>)
      %mul3A_190 = arith.constant 16 : i32
      %mul3A_191 = arith.muli %add3A_183, %mul3A_190 : i32
      %add3A_192 = arith.addi %mul3A_2, %mul3A_191 : i32
      %dma_start3A_193 = arith.constant 0 : i32
      %dma_start3A_194 = tpu.memref_slice %arg4[%add3A_192, %dma_start3A_193] : memref<16384x2048xf32, #tpu.memory_space<hbm>> -> memref<16x2048xf32, #tpu.memory_space<hbm>>
      %dma_start3A_195 = arith.constant 0 : i32
      %dma_start3A_196 = tpu.memref_slice %arg4[%add3A_192, %dma_start3A_195] : memref<16384x2048xf32, #tpu.memory_space<hbm>> -> memref<16x2048xf32, #tpu.memory_space<hbm>>
      tpu.enqueue_dma source(%arg6 : memref<16x2048xf32, #tpu.memory_space<vmem>>) target(%dma_start3A_196 : memref<16x2048xf32, #tpu.memory_space<hbm>>) target_semaphore(%arg12 : memref<!tpu.dma_semaphore, #tpu.memory_space<semaphore_mem>>)
      %dma_wait3A_197 = arith.constant 0 : i32
      %dma_wait3A_198 = arith.constant 0 : i32
      %dma_wait3A_199 = tpu.memref_slice %arg3[%dma_wait3A_197, %dma_wait3A_198] : memref<32000x2048xf32, #tpu.memory_space<hbm>> -> memref<16x2048xf32, #tpu.memory_space<hbm>>
      %dma_wait3A_200 = arith.constant 0 : i32
      %dma_wait3A_201 = arith.constant 0 : i32
      %dma_wait3A_202 = tpu.memref_slice %arg3[%dma_wait3A_200, %dma_wait3A_201] : memref<32000x2048xf32, #tpu.memory_space<hbm>> -> memref<16x2048xf32, #tpu.memory_space<hbm>>
      tpu.wait_dma2 semaphore(%arg14 : memref<!tpu.dma_semaphore, #tpu.memory_space<semaphore_mem>>) src(%dma_wait3A_202 : memref<16x2048xf32, #tpu.memory_space<hbm>>) dst(%arg8 : memref<16x2048xf32, #tpu.memory_space<vmem>>)
      %add3A_203 = arith.constant 2 : i32
      %add3A_204 = arith.addi %add3A_183, %add3A_203 : i32
      %mul3A_205 = arith.constant 16 : i32
      %mul3A_206 = arith.muli %add3A_204, %mul3A_205 : i32
      %dma_start3A_207 = tpu.memref_slice %arg5[%mul3A_206] : memref<512xi32, #tpu.memory_space<vmem>> -> memref<16xi32, #tpu.memory_space<vmem>>
      %dma_start3A_208 = arith.constant 0 : i32
      %dma_start3A_209 = arith.constant 0 : i32
      %dma_start3A_210 = tpu.memref_slice %arg3[%dma_start3A_208, %dma_start3A_209] : memref<32000x2048xf32, #tpu.memory_space<hbm>> -> memref<32000x2048xf32, #tpu.memory_space<hbm>>
      tpu.enqueue_indirect_dma source(%dma_start3A_210 : memref<32000x2048xf32, #tpu.memory_space<hbm>>) target(%arg8 : memref<16x2048xf32, #tpu.memory_space<vmem>>) offsets(%dma_start3A_207 : memref<16xi32, #tpu.memory_space<vmem>>) semaphore(%arg11 : memref<!tpu.dma_semaphore, #tpu.memory_space<semaphore_mem>>)
    }
    %scan3A_32 = arith.constant 9 : i32
    %dma_wait3A_33 = arith.constant 0 : i32
    %dma_wait3A_34 = arith.constant 0 : i32
    %dma_wait3A_35 = tpu.memref_slice %arg3[%dma_wait3A_33, %dma_wait3A_34] : memref<32000x2048xf32, #tpu.memory_space<hbm>> -> memref<16x2048xf32, #tpu.memory_space<hbm>>
    %dma_wait3A_36 = arith.constant 0 : i32
    %dma_wait3A_37 = arith.constant 0 : i32
    %dma_wait3A_38 = tpu.memref_slice %arg3[%dma_wait3A_36, %dma_wait3A_37] : memref<32000x2048xf32, #tpu.memory_space<hbm>> -> memref<16x2048xf32, #tpu.memory_space<hbm>>
    tpu.wait_dma2 semaphore(%arg10 : memref<!tpu.dma_semaphore, #tpu.memory_space<semaphore_mem>>) src(%dma_wait3A_38 : memref<16x2048xf32, #tpu.memory_space<hbm>>) dst(%arg7 : memref<16x2048xf32, #tpu.memory_space<vmem>>)
    %add3A_39 = arith.constant 448 : i32
    %add3A_40 = arith.addi %mul3A_2, %add3A_39 : i32
    %dma_start3A_41 = arith.constant 0 : i32
    %dma_start3A_42 = tpu.memref_slice %arg4[%add3A_40, %dma_start3A_41] : memref<16384x2048xf32, #tpu.memory_space<hbm>> -> memref<16x2048xf32, #tpu.memory_space<hbm>>
    %dma_start3A_43 = arith.constant 0 : i32
    %dma_start3A_44 = tpu.memref_slice %arg4[%add3A_40, %dma_start3A_43] : memref<16384x2048xf32, #tpu.memory_space<hbm>> -> memref<16x2048xf32, #tpu.memory_space<hbm>>
    tpu.enqueue_dma source(%arg7 : memref<16x2048xf32, #tpu.memory_space<vmem>>) target(%dma_start3A_44 : memref<16x2048xf32, #tpu.memory_space<hbm>>) target_semaphore(%arg13 : memref<!tpu.dma_semaphore, #tpu.memory_space<semaphore_mem>>)
    %dma_wait3A_45 = arith.constant 0 : i32
    %dma_wait3A_46 = arith.constant 0 : i32
    %dma_wait3A_47 = tpu.memref_slice %arg3[%dma_wait3A_45, %dma_wait3A_46] : memref<32000x2048xf32, #tpu.memory_space<hbm>> -> memref<16x2048xf32, #tpu.memory_space<hbm>>
    %dma_wait3A_48 = arith.constant 0 : i32
    %dma_wait3A_49 = arith.constant 0 : i32
    %dma_wait3A_50 = tpu.memref_slice %arg3[%dma_wait3A_48, %dma_wait3A_49] : memref<32000x2048xf32, #tpu.memory_space<hbm>> -> memref<16x2048xf32, #tpu.memory_space<hbm>>
    tpu.wait_dma2 semaphore(%arg12 : memref<!tpu.dma_semaphore, #tpu.memory_space<semaphore_mem>>) src(%dma_wait3A_50 : memref<16x2048xf32, #tpu.memory_space<hbm>>) dst(%arg6 : memref<16x2048xf32, #tpu.memory_space<vmem>>)
    %dma_start3A_51 = arith.constant 480 : i32
    %dma_start3A_52 = tpu.memref_slice %arg5[%dma_start3A_51] : memref<512xi32, #tpu.memory_space<vmem>> -> memref<16xi32, #tpu.memory_space<vmem>>
    %dma_start3A_53 = arith.constant 0 : i32
    %dma_start3A_54 = arith.constant 0 : i32
    %dma_start3A_55 = tpu.memref_slice %arg3[%dma_start3A_53, %dma_start3A_54] : memref<32000x2048xf32, #tpu.memory_space<hbm>> -> memref<32000x2048xf32, #tpu.memory_space<hbm>>
    tpu.enqueue_indirect_dma source(%dma_start3A_55 : memref<32000x2048xf32, #tpu.memory_space<hbm>>) target(%arg6 : memref<16x2048xf32, #tpu.memory_space<vmem>>) offsets(%dma_start3A_52 : memref<16xi32, #tpu.memory_space<vmem>>) semaphore(%arg9 : memref<!tpu.dma_semaphore, #tpu.memory_space<semaphore_mem>>)
    %dma_wait3A_56 = arith.constant 0 : i32
    %dma_wait3A_57 = arith.constant 0 : i32
    %dma_wait3A_58 = tpu.memref_slice %arg3[%dma_wait3A_56, %dma_wait3A_57] : memref<32000x2048xf32, #tpu.memory_space<hbm>> -> memref<16x2048xf32, #tpu.memory_space<hbm>>
    %dma_wait3A_59 = arith.constant 0 : i32
    %dma_wait3A_60 = arith.constant 0 : i32
    %dma_wait3A_61 = tpu.memref_slice %arg3[%dma_wait3A_59, %dma_wait3A_60] : memref<32000x2048xf32, #tpu.memory_space<hbm>> -> memref<16x2048xf32, #tpu.memory_space<hbm>>
    tpu.wait_dma2 semaphore(%arg11 : memref<!tpu.dma_semaphore, #tpu.memory_space<semaphore_mem>>) src(%dma_wait3A_61 : memref<16x2048xf32, #tpu.memory_space<hbm>>) dst(%arg8 : memref<16x2048xf32, #tpu.memory_space<vmem>>)
    %add3A_62 = arith.constant 464 : i32
    %add3A_63 = arith.addi %mul3A_2, %add3A_62 : i32
    %dma_start3A_64 = arith.constant 0 : i32
    %dma_start3A_65 = tpu.memref_slice %arg4[%add3A_63, %dma_start3A_64] : memref<16384x2048xf32, #tpu.memory_space<hbm>> -> memref<16x2048xf32, #tpu.memory_space<hbm>>
    %dma_start3A_66 = arith.constant 0 : i32
    %dma_start3A_67 = tpu.memref_slice %arg4[%add3A_63, %dma_start3A_66] : memref<16384x2048xf32, #tpu.memory_space<hbm>> -> memref<16x2048xf32, #tpu.memory_space<hbm>>
    tpu.enqueue_dma source(%arg8 : memref<16x2048xf32, #tpu.memory_space<vmem>>) target(%dma_start3A_67 : memref<16x2048xf32, #tpu.memory_space<hbm>>) target_semaphore(%arg14 : memref<!tpu.dma_semaphore, #tpu.memory_space<semaphore_mem>>)
    %dma_wait3A_68 = arith.constant 0 : i32
    %dma_wait3A_69 = arith.constant 0 : i32
    %dma_wait3A_70 = tpu.memref_slice %arg3[%dma_wait3A_68, %dma_wait3A_69] : memref<32000x2048xf32, #tpu.memory_space<hbm>> -> memref<16x2048xf32, #tpu.memory_space<hbm>>
    %dma_wait3A_71 = arith.constant 0 : i32
    %dma_wait3A_72 = arith.constant 0 : i32
    %dma_wait3A_73 = tpu.memref_slice %arg3[%dma_wait3A_71, %dma_wait3A_72] : memref<32000x2048xf32, #tpu.memory_space<hbm>> -> memref<16x2048xf32, #tpu.memory_space<hbm>>
    tpu.wait_dma2 semaphore(%arg13 : memref<!tpu.dma_semaphore, #tpu.memory_space<semaphore_mem>>) src(%dma_wait3A_73 : memref<16x2048xf32, #tpu.memory_space<hbm>>) dst(%arg7 : memref<16x2048xf32, #tpu.memory_space<vmem>>)
    %dma_start3A_74 = arith.constant 496 : i32
    %dma_start3A_75 = tpu.memref_slice %arg5[%dma_start3A_74] : memref<512xi32, #tpu.memory_space<vmem>> -> memref<16xi32, #tpu.memory_space<vmem>>
    %dma_start3A_76 = arith.constant 0 : i32
    %dma_start3A_77 = arith.constant 0 : i32
    %dma_start3A_78 = tpu.memref_slice %arg3[%dma_start3A_76, %dma_start3A_77] : memref<32000x2048xf32, #tpu.memory_space<hbm>> -> memref<32000x2048xf32, #tpu.memory_space<hbm>>
    tpu.enqueue_indirect_dma source(%dma_start3A_78 : memref<32000x2048xf32, #tpu.memory_space<hbm>>) target(%arg7 : memref<16x2048xf32, #tpu.memory_space<vmem>>) offsets(%dma_start3A_75 : memref<16xi32, #tpu.memory_space<vmem>>) semaphore(%arg10 : memref<!tpu.dma_semaphore, #tpu.memory_space<semaphore_mem>>)
    %dma_wait3A_79 = arith.constant 0 : i32
    %dma_wait3A_80 = arith.constant 0 : i32
    %dma_wait3A_81 = tpu.memref_slice %arg3[%dma_wait3A_79, %dma_wait3A_80] : memref<32000x2048xf32, #tpu.memory_space<hbm>> -> memref<16x2048xf32, #tpu.memory_space<hbm>>
    %dma_wait3A_82 = arith.constant 0 : i32
    %dma_wait3A_83 = arith.constant 0 : i32
    %dma_wait3A_84 = tpu.memref_slice %arg3[%dma_wait3A_82, %dma_wait3A_83] : memref<32000x2048xf32, #tpu.memory_space<hbm>> -> memref<16x2048xf32, #tpu.memory_space<hbm>>
    tpu.wait_dma2 semaphore(%arg9 : memref<!tpu.dma_semaphore, #tpu.memory_space<semaphore_mem>>) src(%dma_wait3A_84 : memref<16x2048xf32, #tpu.memory_space<hbm>>) dst(%arg6 : memref<16x2048xf32, #tpu.memory_space<vmem>>)
    %add3A_85 = arith.constant 480 : i32
    %add3A_86 = arith.addi %mul3A_2, %add3A_85 : i32
    %dma_start3A_87 = arith.constant 0 : i32
    %dma_start3A_88 = tpu.memref_slice %arg4[%add3A_86, %dma_start3A_87] : memref<16384x2048xf32, #tpu.memory_space<hbm>> -> memref<16x2048xf32, #tpu.memory_space<hbm>>
    %dma_start3A_89 = arith.constant 0 : i32
    %dma_start3A_90 = tpu.memref_slice %arg4[%add3A_86, %dma_start3A_89] : memref<16384x2048xf32, #tpu.memory_space<hbm>> -> memref<16x2048xf32, #tpu.memory_space<hbm>>
    tpu.enqueue_dma source(%arg6 : memref<16x2048xf32, #tpu.memory_space<vmem>>) target(%dma_start3A_90 : memref<16x2048xf32, #tpu.memory_space<hbm>>) target_semaphore(%arg12 : memref<!tpu.dma_semaphore, #tpu.memory_space<semaphore_mem>>)
    %dma_wait3A_91 = arith.constant 0 : i32
    %dma_wait3A_92 = arith.constant 0 : i32
    %dma_wait3A_93 = tpu.memref_slice %arg3[%dma_wait3A_91, %dma_wait3A_92] : memref<32000x2048xf32, #tpu.memory_space<hbm>> -> memref<16x2048xf32, #tpu.memory_space<hbm>>
    %dma_wait3A_94 = arith.constant 0 : i32
    %dma_wait3A_95 = arith.constant 0 : i32
    %dma_wait3A_96 = tpu.memref_slice %arg3[%dma_wait3A_94, %dma_wait3A_95] : memref<32000x2048xf32, #tpu.memory_space<hbm>> -> memref<16x2048xf32, #tpu.memory_space<hbm>>
    tpu.wait_dma2 semaphore(%arg10 : memref<!tpu.dma_semaphore, #tpu.memory_space<semaphore_mem>>) src(%dma_wait3A_96 : memref<16x2048xf32, #tpu.memory_space<hbm>>) dst(%arg7 : memref<16x2048xf32, #tpu.memory_space<vmem>>)
    %add3A_97 = arith.constant 496 : i32
    %add3A_98 = arith.addi %mul3A_2, %add3A_97 : i32
    %dma_start3A_99 = arith.constant 0 : i32
    %dma_start3A_100 = tpu.memref_slice %arg4[%add3A_98, %dma_start3A_99] : memref<16384x2048xf32, #tpu.memory_space<hbm>> -> memref<16x2048xf32, #tpu.memory_space<hbm>>
    %dma_start3A_101 = arith.constant 0 : i32
    %dma_start3A_102 = tpu.memref_slice %arg4[%add3A_98, %dma_start3A_101] : memref<16384x2048xf32, #tpu.memory_space<hbm>> -> memref<16x2048xf32, #tpu.memory_space<hbm>>
    tpu.enqueue_dma source(%arg7 : memref<16x2048xf32, #tpu.memory_space<vmem>>) target(%dma_start3A_102 : memref<16x2048xf32, #tpu.memory_space<hbm>>) target_semaphore(%arg13 : memref<!tpu.dma_semaphore, #tpu.memory_space<semaphore_mem>>)
    %dma_wait3A_103 = arith.constant 0 : i32
    %dma_wait3A_104 = arith.constant 0 : i32
    %dma_wait3A_105 = tpu.memref_slice %arg3[%dma_wait3A_103, %dma_wait3A_104] : memref<32000x2048xf32, #tpu.memory_space<hbm>> -> memref<16x2048xf32, #tpu.memory_space<hbm>>
    %dma_wait3A_106 = arith.constant 0 : i32
    %dma_wait3A_107 = arith.constant 0 : i32
    %dma_wait3A_108 = tpu.memref_slice %arg3[%dma_wait3A_106, %dma_wait3A_107] : memref<32000x2048xf32, #tpu.memory_space<hbm>> -> memref<16x2048xf32, #tpu.memory_space<hbm>>
    tpu.wait_dma2 semaphore(%arg14 : memref<!tpu.dma_semaphore, #tpu.memory_space<semaphore_mem>>) src(%dma_wait3A_108 : memref<16x2048xf32, #tpu.memory_space<hbm>>) dst(%arg8 : memref<16x2048xf32, #tpu.memory_space<vmem>>)
    %dma_wait3A_109 = arith.constant 0 : i32
    %dma_wait3A_110 = arith.constant 0 : i32
    %dma_wait3A_111 = tpu.memref_slice %arg3[%dma_wait3A_109, %dma_wait3A_110] : memref<32000x2048xf32, #tpu.memory_space<hbm>> -> memref<16x2048xf32, #tpu.memory_space<hbm>>
    %dma_wait3A_112 = arith.constant 0 : i32
    %dma_wait3A_113 = arith.constant 0 : i32
    %dma_wait3A_114 = tpu.memref_slice %arg3[%dma_wait3A_112, %dma_wait3A_113] : memref<32000x2048xf32, #tpu.memory_space<hbm>> -> memref<16x2048xf32, #tpu.memory_space<hbm>>
    tpu.wait_dma2 semaphore(%arg12 : memref<!tpu.dma_semaphore, #tpu.memory_space<semaphore_mem>>) src(%dma_wait3A_114 : memref<16x2048xf32, #tpu.memory_space<hbm>>) dst(%arg6 : memref<16x2048xf32, #tpu.memory_space<vmem>>)
    %dma_wait3A_115 = arith.constant 0 : i32
    %dma_wait3A_116 = arith.constant 0 : i32
    %dma_wait3A_117 = tpu.memref_slice %arg3[%dma_wait3A_115, %dma_wait3A_116] : memref<32000x2048xf32, #tpu.memory_space<hbm>> -> memref<16x2048xf32, #tpu.memory_space<hbm>>
    %dma_wait3A_118 = arith.constant 0 : i32
    %dma_wait3A_119 = arith.constant 0 : i32
    %dma_wait3A_120 = tpu.memref_slice %arg3[%dma_wait3A_118, %dma_wait3A_119] : memref<32000x2048xf32, #tpu.memory_space<hbm>> -> memref<16x2048xf32, #tpu.memory_space<hbm>>
    tpu.wait_dma2 semaphore(%arg13 : memref<!tpu.dma_semaphore, #tpu.memory_space<semaphore_mem>>) src(%dma_wait3A_120 : memref<16x2048xf32, #tpu.memory_space<hbm>>) dst(%arg7 : memref<16x2048xf32, #tpu.memory_space<vmem>>)
    return
  }
}

</mosaic_0001>

<sc_bundles>
// kernel: kernel.3.cloned.1.call-start
scs
__scs_entry_jumppad:
0x0: {  	(pc) =	sbr.rel $0x88, $3  }
0x1: {  	(tag) =	ssettag $0x0;
	lr =	simm.s32 $0x1  }
0x2: {  	[smem:$0x3F9F] =	sst lr;
	_ =	strace $0xD0000000  }
0x3: {  	_ = 	snop  }
0x4: {  	_ = 	snop  }
0x5: {  	_ = 	snop  }
0x6: {  	_ = 	snop  }
0x7: {  	_ = 	snop  }
__scs_overlays_trampoline_lowered:
0x8: {  	[smem:$0x3FAE] =	sst s0  }
0x9: {  	[smem:$0x3FAF] =	sst s1  }
0xa: {  	[smem:$0x3FB0] =	sst s2  }
0xb: {  	[smem:$0x3FB1] =	sst s3  }
0xc: {  	[smem:$0x3FB2] =	sst s4  }
0xd: {  	[smem:$0x3FB3] =	sst s5  }
0xe: {  	[smem:$0x3FB4] =	sst s6  }
0xf: {  	[smem:$0x3FB5] =	sst s7  }
0x10: {  	[smem:$0x3FB6] =	sst s8  }
0x11: {  	[smem:$0x3FB7] =	sst s9;
	s0 =	simm.s32 @!p0 $0x0  }
0x12: {  	s1 =	sld [smem:$0x3F9D];
	s0 =	simm.s32 @p0 $0x1  }
0x13: {  	[smem:$0x3FB8] =	sst s0;
	s0 =	simm.s32 @!p1 $0x0  }
0x14: {  	s2 =	sld [smem:$0x3F9C];
	s0 =	simm.s32 @p1 $0x1  }
0x15: {  	[smem:$0x3FB9] =	sst s0;
	s0 =	simm.s32 @!p2 $0x0  }
0x16: {  	s3 =	sld [smem:$0x3FDB];
	s0 =	simm.s32 @p2 $0x1  }
0x17: {  	s4 =	simm.s32 $0x1BF5;
	[smem:$0x3FBB] =	sst s0  }
0x18: {  	s0 =	sld [smem:$0x3F9E];
	_ =	swait.ge [sflag:s4], $0x0  }
0x19: {  	s7 =	sld [smem:$0x3F9F]  }
0x1a: {  	s8 =	sadd.s32 $0xFFFFE003, lr  }
0x1b: {  	s9 =	sadd.s32 $0xFFFFFEF7, lr;
	s5 =	simm.s32 $0xFFFFFFFF;
	p2 =	slt.u32 s8, $0xFFFFF086  }
0x1c: {  	p1 =	slt.u32 s9, $0xF7A;
	s5 =	simm.s32 @!p2 $0x0  }
0x1d: {  	s5 =	simm.s32 @p1 $0x1;
	p0 =	seq.s32 s7, s2  }
0x1e: {  	s7 =	smul.u32 @!p0 $0xF7A, s2;
	p2 =	seq.s32 @!p0 s5, $0x0  }
0x1f: {  	s9 =	smul.u32 $0xF7A, s1;
	s8 =	simm.s32 @!p0 $0x1BF5;
	p2 =	por !p2, p0  }
0x20: {  	[sflag:s8] =	ssyncset.s32 @!p0 $0xFFFFF086;
	s6 =	sadd.s32 @!p0 s3, s7;
	s7 =	simm.s32 @!p0 $0x108  }
0x21: {  	s3 =	sadd.s32 s3, s9;
	s6 =	sadd.s32 @!p0 $0x88, s6;
	s7 =	simm.s32 @p2 $0x1082  }
0x22: {  	[simem:s7], [sflag:s8] =	dma.local @!p0 [hbm:s6], $0xF7A  }
0x23: {  	s9 =	sor.u32 $0xD0000000, s2;
	s6 =	simm.s32 $0x108;
	_ =	swait.ge @!p0 [sflag:s8], $0x0  }
0x24: {  	s3 =	sadd.s32 $0x88, s3;
	s6 =	simm.s32 @!p1 $0x1082;
	[sflag:s4] =	ssyncset.s32 $0xFFFFF086  }
0x25: {  	[simem:s6], [sflag:s4] =	dma.local [hbm:s3], $0xF7A  }
0x26: {  	[smem:$0x3F9F] =	sst s1;
	(tag) =	ssettag s2;
	_ =	strace s9  }
0x27: {  	s1 =	sld [smem:$0x3FAF]  }
0x28: {  	s2 =	sld [smem:$0x3FB0]  }
0x29: {  	s4 =	sld [smem:$0x3FB2]  }
0x2a: {  	p0 =	seq.s32 s5, $0x0;
	s5 =	sld [smem:$0x3FB3]  }
0x2b: {  	s6 =	sld [smem:$0x3FB4]  }
0x2c: {  	s7 =	sld [smem:$0x3FB5]  }
0x2d: {  	s3 =	simm.s32 $0x108;
	s8 =	sld [smem:$0x3FB6]  }
0x2e: {  	s3 =	simm.s32 @!p0 $0x1082;
	s9 =	sld [smem:$0x3FB7]  }
0x2f: {  	lr =	sadd.s32 s0, s3;
	s0 =	sld [smem:$0x3FAE]  }
0x30: {  	s3 =	sld [smem:$0x3FB1]  }
0x31: {  	[smem:$0x3FBA] =	sst s10  }
0x32: {  	s10 =	sld [smem:$0x3FB8];
	_ =	sdelay $0x3  }
0x33: {  	p0 =	seq.s32 s10, $0x1;
	s10 =	sld [smem:$0x3FBA];
	_ =	sdelay $0x3  }
0x34: {  	[smem:$0x3FBA] =	sst s10  }
0x35: {  	s10 =	sld [smem:$0x3FB9];
	_ =	sdelay $0x3  }
0x36: {  	p1 =	seq.s32 s10, $0x1;
	s10 =	sld [smem:$0x3FBA];
	_ =	sdelay $0x3  }
0x37: {  	[smem:$0x3FBA] =	sst s10  }
0x38: {  	s10 =	sld [smem:$0x3FBB]  }
0x39: {  	_ = 	snop;
	(pc) =	sbr.ind lr, $3  }
0x3a: {  	_ = 	snop  }
0x3b: {  	_ = 	snop  }
0x3c: {  	p2 =	seq.s32 s10, $0x1;
	s10 =	sld [smem:$0x3FBA]  }
0x3d: {  	_ =	shalt  }
0x3e: {  	_ =	shalt  }
0x3f: {  	_ =	shalt  }
0x40: {  	_ =	shalt  }
0x41: {  	_ =	shalt  }
0x42: {  	_ =	shalt  }
0x43: {  	_ =	shalt  }
0x44: {  	_ =	shalt  }
0x45: {  	_ =	shalt  }
0x46: {  	_ =	shalt  }
0x47: {  	_ =	shalt  }
0x48: {  	_ =	shalt  }
0x49: {  	_ =	shalt  }
0x4a: {  	_ =	shalt  }
0x4b: {  	_ =	shalt  }
0x4c: {  	_ =	shalt  }
0x4d: {  	_ =	shalt  }
0x4e: {  	_ =	shalt  }
0x4f: {  	_ =	shalt  }
0x50: {  	_ =	shalt  }
0x51: {  	_ =	shalt  }
0x52: {  	_ =	shalt  }
0x53: {  	_ =	shalt  }
0x54: {  	_ =	shalt  }
0x55: {  	_ =	shalt  }
0x56: {  	_ =	shalt  }
0x57: {  	_ =	shalt  }
0x58: {  	_ =	shalt  }
0x59: {  	_ =	shalt  }
0x5a: {  	_ =	shalt  }
0x5b: {  	_ =	shalt  }
0x5c: {  	_ =	shalt  }
0x5d: {  	_ =	shalt  }
0x5e: {  	_ =	shalt  }
0x5f: {  	_ =	shalt  }
0x60: {  	_ =	shalt  }
0x61: {  	_ =	shalt  }
0x62: {  	_ =	shalt  }
0x63: {  	_ =	shalt  }
0x64: {  	_ =	shalt  }
0x65: {  	_ =	shalt  }
0x66: {  	_ =	shalt  }
0x67: {  	_ =	shalt  }
0x68: {  	_ =	shalt  }
0x69: {  	_ =	shalt  }
0x6a: {  	_ =	shalt  }
0x6b: {  	_ =	shalt  }
0x6c: {  	_ =	shalt  }
0x6d: {  	_ =	shalt  }
0x6e: {  	_ =	shalt  }
0x6f: {  	_ =	shalt  }
0x70: {  	_ =	shalt  }
0x71: {  	_ =	shalt  }
0x72: {  	_ =	shalt  }
0x73: {  	_ =	shalt  }
0x74: {  	_ =	shalt  }
0x75: {  	_ =	shalt  }
0x76: {  	_ =	shalt  }
0x77: {  	_ =	shalt  }
0x78: {  	_ =	shalt  }
0x79: {  	_ =	shalt  }
0x7a: {  	_ =	shalt  }
0x7b: {  	_ =	shalt  }
0x7c: {  	_ =	shalt  }
0x7d: {  	_ =	shalt  }
0x7e: {  	_ =	shalt  }
0x7f: {  	_ =	shalt  }
0x80: {  	_ =	shalt  }
0x81: {  	_ =	shalt  }
0x82: {  	_ =	shalt  }
0x83: {  	_ =	shalt  }
0x84: {  	_ =	shalt  }
0x85: {  	_ =	shalt  }
0x86: {  	_ =	shalt  }
0x87: {  	_ =	shalt  }
.Lfunc_end0:
.L_simem_size_0:
called_computation_lowered:
.L_overlay_start_0:
0x88: {  	s2 =	sld [smem:$0x3FD9]  }
0x89: {  	s3 =	sld [smem:$0x3FFE];
	_ =	sdelay $0x1  }
0x8a: {  	s1 =	srdreg.scid  }
0x8b: {  	s0 =	sand.u32 $0x1, s1  }
0x8c: {  	s17 =	sshll.u32 s0, $0xA;
	s2 =	sadd.s32 s3, s2  }
0x8d: {  	s2 =	sadd.s32 s2, s17  }
0x8e: {  	[smem:$0x3FC6] =	sst s2  }
0x8f: {  	_ = 	snop  }
0x90: {  	s2 =	sld [smem:$0x3FC8]  }
0x91: {  	s18 =	sld [smem:$0x3FD0];
	(tm) =	ssettm $0x1  }
0x92: {  	s4 =	sld [smem:$0x3FFB];
	_ =	sdelay $0x3  }
0x93: {  	_ =	strace s4  }
0x94: {  	s4 =	sld [smem:$0x3FFC];
	_ =	sdelay $0x3  }
0x95: {  	_ =	strace s4  }
0x96: {  	s4 =	sld [smem:$0x3FFD];
	_ =	sdelay $0x3  }
0x97: {  	_ =	strace s4  }
0x98: {  	_ =	strace $0x8FFFFFFF  }
0x99: {  	s19 =	sld [smem:$0x3FDB];
	_ =	sdelay $0x1  }
0x9a: {  	s5 =	simm.s32 $_scs_section_size  }
0x9b: {  	s6 =	simm.s32 $_size__tile_overlayer_lowered;
	s7 =	simm.s32 $_tile_overlayer_lowered  }
0x9c: {  	s22 =	simm.s32 $0x1BFF;
	s21 =	sshll.u32 s7, $0x1;
	s4 =	sadd.s32 s5, s19  }
0x9d: {  	s8 =	simm.s32 $0x0;
	s20 =	sshll.u32 s6, $0x1;
	s6 =	sadd.s32 s21, s4  }
0x9e: {  	[timem:s8], [sflag:s22] =	dma.local [hbm:s6], s20  }
0x9f: {  	_ =	swait.ge [sflag:s22], s20  }
0xa0: {  	s5 =	ssub.s32 $0x0, s20;
	[sflag:s22] =	ssyncset.done $0x0  }
0xa1: {  	[sflag:s22] =	ssyncadd.s32 s5;
	_ =	sdelay $0x1  }
0xa2: {  	s23 =	simm.s32 $0x1B8B  }
0xa3: {  	_ =	swait.ge [sflag:s23], $0x1  }
0xa4: {  	[sflag:s23] =	ssyncset.done $0x0  }
0xa5: {  	s25 =	simm.s32 $0x1B8E;
	s24 =	sld [smem:$0x3FFE];
	[sflag:s23] =	ssyncadd.s32 $0xFFFFFFFF  }
0xa6: {  	s26 =	simm.s32 $execute0_lowered;
	[smem:$0x3FD2] =	sst s25  }
0xa7: {  	s6 =	sshll.u32 s26, $0x1;
	_ =	strace $0x80000046;
	[dreg:$0x1] =	wrdreg $0xFFFFFFFF  }
0xa8: {  	s28 =	simm.s32 $_size_execute0_lowered;
	s4 =	sadd.s32 s4, s6;
	[dreg:$0x0] =	wrdreg $0x0  }
0xa9: {  	s6 =	sshll.u32 s28, $0x1;
	[dreg:$0x2] =	wrdreg s4  }
0xaa: {  	[dreg:$0x3] =	wrdreg s6  }
0xab: {  	[dreg:$0x4] =	wrdreg $0xC0  }
0xac: {  	_ =	task [dreg:s8], $0x5FFFF  }
0xad: {  	[dreg:$0x1] =	wrdreg $0xFFFFFFFF  }
0xae: {  	[dreg:$0x0] =	wrdreg $0x60  }
0xaf: {  	[dreg:$0x2] =	wrdreg s24  }
0xb0: {  	[dreg:$0x3] =	wrdreg s2  }
0xb1: {  	[dreg:$0x4] =	wrdreg s18  }
0xb2: {  	[dreg:$0x5] =	wrdreg $0x9  }
0xb3: {  	_ =	task.clear_ibuf [dreg:s8], $0x6FFFF;
	_ =	strace $0x90000046  }
0xb4: {  	s29 =	simm.s32 $0x9;
	_ =	strace $0x80000048  }
0xb5: {  	_ =	swait.ge [sflag:s29], $0x1  }
0xb6: {  	[sflag:s29] =	ssyncadd.s32 $0xFFFFFFFF  }
0xb7: {  	_ =	strace $0x90000048  }
0xb8: {  	_ =	sfence  }
0xb9: {  	s30 =	sld [smem:$0x0];
	_ =	sdelay $0x2  }
0xba: {  	s31 =	sshll.u32 s1, $0xD;
	s1 =	sshrl.u32 s1, $0x2  }
0xbb: {  	s3 =	sand.u32 $0x4000, s31;
	s1 =	sadd.s32 s1, s30  }
0xbc: {  	s0 =	sor.u32 s3, s0;
	s1 =	sshll.u32 s1, $0x11  }
0xbd: {  	s0 =	sor.u32 s1, s0  }
0xbe: {  	s0 =	sadd.s32 $0x8F2B, s0  }
0xbf: {  	[sflag:s0] =	ssyncadd.remote.s32 $0x1  }
0xc0: {  	_ =	sfence.sel $0xFFFF  }
0xc1: {  	[dreg:$0x0] =	wrdreg $0xFFFFFFFF;
	(pc) =	sbr.abs _section_cstart, $3  }
0xc2: {  	[dreg:$0x1] =	wrdreg $0xFFFFFFFF  }
0xc3: {  	_ =	task.clear_ibuf [dreg:s8], $0x2FFFF;
	_ =	strace $0x9FFFFFFF  }
0xc4: {  	(tm) =	ssettm $0x7FFFFFFF  }
0xc5: {  	_ =	shalt  }
tec
execute0_lowered:
.L_overlay_start_1:
0x0: {  	(tag) =	ssettag $0x1  }
0x1: {  	s0 =	rddreg [dreg:$0x0]  }
0x2: {  	s1 =	srdreg.scid;
	s2 =	rddreg [dreg:$0x1]  }
0x3: {  	s13 =	stileid.u32;
	s4 =	rddreg [dreg:$0x2]  }
0x4: {  	s31 =	simm.s32 $0x1;
	s29 =	simm.s32 $0x10A00;
	s17 =	simm.s32 $0x11200  }
0x5: {  	s18 =	simm.s32 $0x11A00;
	s19 =	simm.s32 $0x15A00;
	s30 =	simm.s32 $0x16200  }
0x6: {  	s15 =	simm.s32 $0x3;
	s16 =	simm.s32 $0x6;
	s28 =	simm.s32 $0x0  }
0x7: {  	s1 =	sand.u32 $0x1, s1;
	s3 =	sshll.u32 s13, $0xA;
	s7 =	sadd.s32 $0x300, s2  }
0x8: {  	s8 =	sadd.s32 $0x400, s2;
	s9 =	sadd.s32 $0x500, s2;
	s11 =	sadd.s32 $0x700, s2  }
0x9: {  	s23 =	sshll.u32 s13, $0x12;
	s13 =	simm.s32 $0x2;
	s5 =	sshll.u32 s1, $0x9  }
0xa: {  	s6 =	ssub.s32 $0x2, s1;
	s1 =	sshll.u32 s1, $0x11;
	s10 =	sor.u32 s5, s3  }
0xb: {  	s3 =	simm.s32 $0x0;
	s20 =	sshrl.u32 s6, $0x1;
	s5 =	sshrl.u32 s10, $0x3  }
0xc: {  	[smem:$0x7FF] =	sst s3;
	s12 =	ssub.s32 s6, s20;
	s21 =	sshll.u32 s10, $0x8  }
0xd: {  	s6 =	sadd.s32 $0x200, s2;
	s0 =	sadd.s32 s5, s0;
	s14 =	sadd.s32 s4, s21  }
0xe: {  	_ =	strace $0x80000047;
	s26 =	smax.u32 s12, $0x1;
	[dreg:$0x6] =	wrdreg s14  }
0xf: {  	s10 =	sadd.s32 $0x600, s2;
	s0 =	sadd.s32 $0x400, s0;
	[dreg:$0xb] =	wrdreg s26  }
0x10: {  	s20 =	simm.s32 $0x12200;
	s22 =	sadd.s32 $0x1D000, s14;
	[dreg:$0x5] =	wrdreg s0  }
0x11: {  	s5 =	sadd.s32 $0x100, s2;
	s24 =	sadd.s32 $0x1E000, s14;
	[dreg:$0x8] =	wrdreg s22  }
0x12: {  	s21 =	simm.s32 $0x12A00;
	s25 =	sadd.s32 $0x1F000, s14;
	[dreg:$0x9] =	wrdreg s24  }
0x13: {  	s26 =	simm.s32 $0x5;
	s0 =	sadd.s32 $0x1C000, s14;
	[dreg:$0xa] =	wrdreg s25  }
0x14: {  	s14 =	simm.s32 $0x8200;
	s22 =	simm.s32 $0x13A00;
	s24 =	simm.s32 $0x15200  }
0x15: {  	v2 =	vlaneseq.u32;
	s25 =	simm.s32 $0x4;
	[dreg:$0x7] =	wrdreg s0;
	s0 =	sadd.s32 s23, s4  }
0x16: {  	vm0 =	vmmov $0xffff;
	v1 =	vshrl.u32 v2, $0x3;
	s23 =	simm.s32 $0x14200;
	s4 =	simm.s32 $0x14A00;
	s0 =	sadd.s32 s1, s0  }
0x17: {  	v0 =	vand.u32 $0x7, v2;
	v2 =	vor.u32 $0x8, v2;
	v1 =	vmul.u32 $0x8, v1;
	s1 =	simm.s32 $0x10200;
	[dreg:$0x4] =	wrdreg s0;
	s0 =	simm.s32 $0x13200  }
.LBB2_1:
0x18: {  	s12 =	rddreg [dreg:$0x5]  }
0x19: {  	[tilespmem:s3], [sflag:$0x7] =	stream.linear.gather [hbm4b:s12+s3], $0x200, $0x38;
	[tilespmem:$0x18200] =	vst v63  }
0x1a: {  	[dreg:$0xc] =	wrdreg s28;
	s12 =	simm.s32 $0x7  }
0x1b: {  	_ =	swait.ge [sflag:s12], $0x200  }
0x1c: {  	[sflag:s12] =	ssyncset.done $0x0  }
0x1d: {  	[sflag:s12] =	ssyncadd.s32 $0xFFFFFE00  }
0x1e: {  	v3 =	vld [tilespmem:$0x0];
	_ =	sdelay $0x4  }
0x1f: {  	v4 =	vshll.u32 v3, $0x4  }
0x20: {  	v3 =	vand.u32 $0x7, v3;
	v4 =	vand.u32 $0xFFFFFF80, v4  }
0x21: {  	v3 =	vor.u32 v3, v4  }
0x22: {  	v4 =	vperm.xlane v3, v0;
	_ =	sdelay $0x1  }
0x23: {  	v4 =	vadd.s32 v1, v4;
	_ =	sdelay $0x3  }
0x24: {  	s28 =	simm.s32 $0x200  }
0x25: {  	[tilespmem:s28], [sflag:$0x1] =	stream.indirect_vreg.gather [hbm4b:s2+s3], $0x80, v4, vm0, $0xb8;
	[tilespmem:$0x18200] =	vst v63  }
0x26: {  	s12 =	simm.s32 $0xA00  }
0x27: {  	[tilespmem:s12], [sflag:$0x1] =	stream.indirect_vreg.gather [hbm4b:s5+s3], $0x80, v4, vm0, $0xb8;
	[tilespmem:$0x18200] =	vst v63  }
0x28: {  	s12 =	simm.s32 $0x1200  }
0x29: {  	[tilespmem:s12], [sflag:$0x1] =	stream.indirect_vreg.gather [hbm4b:s6+s3], $0x80, v4, vm0, $0xb8;
	[tilespmem:$0x18200] =	vst v63  }
0x2a: {  	s12 =	simm.s32 $0x1A00  }
0x2b: {  	[tilespmem:s12], [sflag:$0x1] =	stream.indirect_vreg.gather [hbm4b:s7+s3], $0x80, v4, vm0, $0xb8;
	[tilespmem:$0x18200] =	vst v63  }
0x2c: {  	s12 =	simm.s32 $0x2200  }
0x2d: {  	[tilespmem:s12], [sflag:$0x1] =	stream.indirect_vreg.gather [hbm4b:s8+s3], $0x80, v4, vm0, $0xb8;
	[tilespmem:$0x18200] =	vst v63  }
0x2e: {  	v3 =	vperm.xlane v3, v2;
	s12 =	simm.s32 $0x2A00  }
0x2f: {  	[tilespmem:s12], [sflag:$0x1] =	stream.indirect_vreg.gather [hbm4b:s9+s3], $0x80, v4, vm0, $0xb8;
	[tilespmem:$0x18200] =	vst v63  }
0x30: {  	v3 =	vadd.s32 v1, v3;
	s12 =	simm.s32 $0x3200  }
0x31: {  	[tilespmem:s12], [sflag:$0x1] =	stream.indirect_vreg.gather [hbm4b:s10+s3], $0x80, v4, vm0, $0xb8;
	[tilespmem:$0x18200] =	vst v63  }
0x32: {  	s12 =	simm.s32 $0x3A00  }
0x33: {  	[tilespmem:s12], [sflag:$0x1] =	stream.indirect_vreg.gather [hbm4b:s11+s3], $0x80, v4, vm0, $0xb8;
	[tilespmem:$0x18200] =	vst v63  }
0x34: {  	s12 =	simm.s32 $0x4200  }
0x35: {  	[tilespmem:s12], [sflag:$0x1] =	stream.indirect_vreg.gather [hbm4b:s2+s3], $0x80, v3, vm0, $0xb8;
	[tilespmem:$0x18200] =	vst v63  }
0x36: {  	s12 =	simm.s32 $0x4A00  }
0x37: {  	[tilespmem:s12], [sflag:$0x1] =	stream.indirect_vreg.gather [hbm4b:s5+s3], $0x80, v3, vm0, $0xb8;
	[tilespmem:$0x18200] =	vst v63  }
0x38: {  	s12 =	simm.s32 $0x5200  }
0x39: {  	[tilespmem:s12], [sflag:$0x1] =	stream.indirect_vreg.gather [hbm4b:s6+s3], $0x80, v3, vm0, $0xb8;
	[tilespmem:$0x18200] =	vst v63  }
0x3a: {  	s12 =	simm.s32 $0x5A00  }
0x3b: {  	[tilespmem:s12], [sflag:$0x1] =	stream.indirect_vreg.gather [hbm4b:s7+s3], $0x80, v3, vm0, $0xb8;
	[tilespmem:$0x18200] =	vst v63  }
0x3c: {  	s12 =	simm.s32 $0x6200  }
0x3d: {  	[tilespmem:s12], [sflag:$0x1] =	stream.indirect_vreg.gather [hbm4b:s8+s3], $0x80, v3, vm0, $0xb8;
	[tilespmem:$0x18200] =	vst v63  }
0x3e: {  	s12 =	simm.s32 $0x6A00  }
0x3f: {  	[tilespmem:s12], [sflag:$0x1] =	stream.indirect_vreg.gather [hbm4b:s9+s3], $0x80, v3, vm0, $0xb8;
	[tilespmem:$0x18200] =	vst v63  }
0x40: {  	s12 =	simm.s32 $0x7200  }
0x41: {  	[tilespmem:s12], [sflag:$0x1] =	stream.indirect_vreg.gather [hbm4b:s10+s3], $0x80, v3, vm0, $0xb8;
	[tilespmem:$0x18200] =	vst v63  }
0x42: {  	s12 =	simm.s32 $0x7A00  }
0x43: {  	[tilespmem:s12], [sflag:$0x1] =	stream.indirect_vreg.gather [hbm4b:s11+s3], $0x80, v3, vm0, $0xb8;
	[tilespmem:$0x18200] =	vst v63  }
0x44: {  	v3 =	vld [tilespmem:$0x10];
	_ =	sdelay $0x4  }
0x45: {  	v62 =	vshll.u32 v3, $0x4  }
0x46: {  	v3 =	vand.u32 $0x7, v3;
	v4 =	vand.u32 $0xFFFFFF80, v62  }
0x47: {  	v3 =	vor.u32 v3, v4  }
0x48: {  	v4 =	vperm.xlane v3, v0;
	_ =	sdelay $0x1  }
0x49: {  	v4 =	vadd.s32 v1, v4;
	_ =	sdelay $0x4  }
0x4a: {  	[tilespmem:s14], [sflag:$0x2] =	stream.indirect_vreg.gather [hbm4b:s2+s3], $0x80, v4, vm0, $0xb8;
	[tilespmem:$0x18200] =	vst v63  }
0x4b: {  	s14 =	simm.s32 $0x8A00  }
0x4c: {  	[tilespmem:s14], [sflag:$0x2] =	stream.indirect_vreg.gather [hbm4b:s5+s3], $0x80, v4, vm0, $0xb8;
	[tilespmem:$0x18200] =	vst v63  }
0x4d: {  	s14 =	simm.s32 $0x9200  }
0x4e: {  	[tilespmem:s14], [sflag:$0x2] =	stream.indirect_vreg.gather [hbm4b:s6+s3], $0x80, v4, vm0, $0xb8;
	[tilespmem:$0x18200] =	vst v63  }
0x4f: {  	s14 =	simm.s32 $0x9A00  }
0x50: {  	[tilespmem:s14], [sflag:$0x2] =	stream.indirect_vreg.gather [hbm4b:s7+s3], $0x80, v4, vm0, $0xb8;
	[tilespmem:$0x18200] =	vst v63  }
0x51: {  	s14 =	simm.s32 $0xA200  }
0x52: {  	[tilespmem:s14], [sflag:$0x2] =	stream.indirect_vreg.gather [hbm4b:s8+s3], $0x80, v4, vm0, $0xb8;
	[tilespmem:$0x18200] =	vst v63  }
0x53: {  	v3 =	vperm.xlane v3, v2;
	s14 =	simm.s32 $0xAA00  }
0x54: {  	[tilespmem:s14], [sflag:$0x2] =	stream.indirect_vreg.gather [hbm4b:s9+s3], $0x80, v4, vm0, $0xb8;
	[tilespmem:$0x18200] =	vst v63  }
0x55: {  	v3 =	vadd.s32 v1, v3;
	s14 =	simm.s32 $0xB200  }
0x56: {  	[tilespmem:s14], [sflag:$0x2] =	stream.indirect_vreg.gather [hbm4b:s10+s3], $0x80, v4, vm0, $0xb8;
	[tilespmem:$0x18200] =	vst v63  }
0x57: {  	s14 =	simm.s32 $0xBA00  }
0x58: {  	[tilespmem:s14], [sflag:$0x2] =	stream.indirect_vreg.gather [hbm4b:s11+s3], $0x80, v4, vm0, $0xb8;
	[tilespmem:$0x18200] =	vst v63  }
0x59: {  	s14 =	simm.s32 $0xC200  }
0x5a: {  	[tilespmem:s14], [sflag:$0x2] =	stream.indirect_vreg.gather [hbm4b:s2+s3], $0x80, v3, vm0, $0xb8;
	[tilespmem:$0x18200] =	vst v63  }
0x5b: {  	s14 =	simm.s32 $0xCA00  }
0x5c: {  	[tilespmem:s14], [sflag:$0x2] =	stream.indirect_vreg.gather [hbm4b:s5+s3], $0x80, v3, vm0, $0xb8;
	[tilespmem:$0x18200] =	vst v63  }
0x5d: {  	s14 =	simm.s32 $0xD200  }
0x5e: {  	[tilespmem:s14], [sflag:$0x2] =	stream.indirect_vreg.gather [hbm4b:s6+s3], $0x80, v3, vm0, $0xb8;
	[tilespmem:$0x18200] =	vst v63  }
0x5f: {  	s14 =	simm.s32 $0xDA00  }
0x60: {  	[tilespmem:s14], [sflag:$0x2] =	stream.indirect_vreg.gather [hbm4b:s7+s3], $0x80, v3, vm0, $0xb8;
	[tilespmem:$0x18200] =	vst v63  }
0x61: {  	s14 =	simm.s32 $0xE200  }
0x62: {  	[tilespmem:s14], [sflag:$0x2] =	stream.indirect_vreg.gather [hbm4b:s8+s3], $0x80, v3, vm0, $0xb8;
	[tilespmem:$0x18200] =	vst v63  }
0x63: {  	s14 =	simm.s32 $0xEA00  }
0x64: {  	[tilespmem:s14], [sflag:$0x2] =	stream.indirect_vreg.gather [hbm4b:s9+s3], $0x80, v3, vm0, $0xb8;
	[tilespmem:$0x18200] =	vst v63  }
0x65: {  	s14 =	simm.s32 $0xF200  }
0x66: {  	[tilespmem:s14], [sflag:$0x2] =	stream.indirect_vreg.gather [hbm4b:s10+s3], $0x80, v3, vm0, $0xb8;
	[tilespmem:$0x18200] =	vst v63  }
0x67: {  	s14 =	simm.s32 $0xFA00  }
0x68: {  	[tilespmem:s14], [sflag:$0x2] =	stream.indirect_vreg.gather [hbm4b:s11+s3], $0x80, v3, vm0, $0xb8;
	[tilespmem:$0x18200] =	vst v63  }
0x69: {  	_ =	swait.ge [sflag:s31], $0x8000  }
0x6a: {  	[sflag:s31] =	ssyncset.done $0x0  }
0x6b: {  	s14 =	rddreg [dreg:$0x6];
	[sflag:s31] =	ssyncadd.s32 $0xFFFF8000  }
0x6c: {  	[hbm4b:s14+s3] =	stream.linear.scatter [tilespmem:s28], [sflag:$0x4], $0x8000, $0x38;
	[tilespmem:$0x18200] =	vst v63  }
0x6d: {  	v3 =	vld [tilespmem:$0x20];
	_ =	sdelay $0x4  }
0x6e: {  	v63 =	vshll.u32 v3, $0x4  }
0x6f: {  	v3 =	vand.u32 $0x7, v3;
	v4 =	vand.u32 $0xFFFFFF80, v63  }
0x70: {  	v3 =	vor.u32 v3, v4  }
0x71: {  	v4 =	vperm.xlane v3, v0;
	_ =	sdelay $0x1  }
0x72: {  	v4 =	vadd.s32 v1, v4;
	_ =	sdelay $0x4  }
0x73: {  	[tilespmem:s1], [sflag:$0x3] =	stream.indirect_vreg.gather [hbm4b:s2+s3], $0x80, v4, vm0, $0xb8;
	[tilespmem:$0x18200] =	vst v63  }
0x74: {  	_ = 	snop  }
0x75: {  	[tilespmem:s29], [sflag:$0x3] =	stream.indirect_vreg.gather [hbm4b:s5+s3], $0x80, v4, vm0, $0xb8;
	[tilespmem:$0x18200] =	vst v63  }
0x76: {  	_ = 	snop  }
0x77: {  	[tilespmem:s17], [sflag:$0x3] =	stream.indirect_vreg.gather [hbm4b:s6+s3], $0x80, v4, vm0, $0xb8;
	[tilespmem:$0x18200] =	vst v63  }
0x78: {  	_ = 	snop  }
0x79: {  	[tilespmem:s18], [sflag:$0x3] =	stream.indirect_vreg.gather [hbm4b:s7+s3], $0x80, v4, vm0, $0xb8;
	[tilespmem:$0x18200] =	vst v63  }
0x7a: {  	_ = 	snop  }
0x7b: {  	[tilespmem:s20], [sflag:$0x3] =	stream.indirect_vreg.gather [hbm4b:s8+s3], $0x80, v4, vm0, $0xb8;
	[tilespmem:$0x18200] =	vst v63  }
0x7c: {  	v3 =	vperm.xlane v3, v2  }
0x7d: {  	[tilespmem:s21], [sflag:$0x3] =	stream.indirect_vreg.gather [hbm4b:s9+s3], $0x80, v4, vm0, $0xb8;
	[tilespmem:$0x18200] =	vst v63  }
0x7e: {  	v3 =	vadd.s32 v1, v3  }
0x7f: {  	[tilespmem:s0], [sflag:$0x3] =	stream.indirect_vreg.gather [hbm4b:s10+s3], $0x80, v4, vm0, $0xb8;
	[tilespmem:$0x18200] =	vst v63  }
0x80: {  	_ = 	snop  }
0x81: {  	[tilespmem:s22], [sflag:$0x3] =	stream.indirect_vreg.gather [hbm4b:s11+s3], $0x80, v4, vm0, $0xb8;
	[tilespmem:$0x18200] =	vst v63  }
0x82: {  	_ = 	snop  }
0x83: {  	[tilespmem:s23], [sflag:$0x3] =	stream.indirect_vreg.gather [hbm4b:s2+s3], $0x80, v3, vm0, $0xb8;
	[tilespmem:$0x18200] =	vst v63  }
0x84: {  	_ = 	snop  }
0x85: {  	[tilespmem:s4], [sflag:$0x3] =	stream.indirect_vreg.gather [hbm4b:s5+s3], $0x80, v3, vm0, $0xb8;
	[tilespmem:$0x18200] =	vst v63  }
0x86: {  	_ = 	snop  }
0x87: {  	[tilespmem:s24], [sflag:$0x3] =	stream.indirect_vreg.gather [hbm4b:s6+s3], $0x80, v3, vm0, $0xb8;
	[tilespmem:$0x18200] =	vst v63  }
0x88: {  	_ = 	snop  }
0x89: {  	[tilespmem:s19], [sflag:$0x3] =	stream.indirect_vreg.gather [hbm4b:s7+s3], $0x80, v3, vm0, $0xb8;
	[tilespmem:$0x18200] =	vst v63  }
0x8a: {  	s28 =	simm.s32 $0x50;
	s17 =	simm.s32 $0x0  }
0x8b: {  	[tilespmem:s30], [sflag:$0x3] =	stream.indirect_vreg.gather [hbm4b:s8+s3], $0x80, v3, vm0, $0xb8;
	[tilespmem:$0x18200] =	vst v63  }
0x8c: {  	s20 =	simm.s32 $0x16200;
	s21 =	simm.s32 $0x16A00;
	s0 =	simm.s32 $0x17200  }
0x8d: {  	[tilespmem:s21], [sflag:$0x3] =	stream.indirect_vreg.gather [hbm4b:s9+s3], $0x80, v3, vm0, $0xb8;
	[tilespmem:$0x18200] =	vst v63  }
0x8e: {  	s22 =	simm.s32 $0x13A00;
	s23 =	simm.s32 $0x14200;
	s4 =	simm.s32 $0x14A00  }
0x8f: {  	[tilespmem:s0], [sflag:$0x3] =	stream.indirect_vreg.gather [hbm4b:s10+s3], $0x80, v3, vm0, $0xb8;
	[tilespmem:$0x18200] =	vst v63  }
0x90: {  	s24 =	simm.s32 $0x15200;
	s19 =	simm.s32 $0x15A00;
	s30 =	simm.s32 $0x17A00  }
0x91: {  	[tilespmem:s30], [sflag:$0x3] =	stream.indirect_vreg.gather [hbm4b:s11+s3], $0x80, v3, vm0, $0xb8;
	[tilespmem:$0x18200] =	vst v63  }
.LBB2_2:
0x92: {  	_ =	swait.ge [sflag:s13], $0x8000  }
0x93: {  	s29 =	rddreg [dreg:$0x4]  }
0x94: {  	[sflag:s13] =	ssyncset.done $0x0;
	s29 =	sadd.s32 s17, s29  }
0x95: {  	s1 =	simm.s32 $0x8200;
	[sflag:s13] =	ssyncadd.s32 $0xFFFF8000;
	s12 =	sadd.s32 $0x1000, s29  }
0x96: {  	[hbm4b:s12+s3] =	stream.linear.scatter [tilespmem:s1], [sflag:$0x5], $0x8000, $0x38;
	[tilespmem:$0x18200] =	vst v63  }
0x97: {  	_ =	swait.ge [sflag:s25], $0x8000  }
0x98: {  	[sflag:s25] =	ssyncset.done $0x0  }
0x99: {  	[sflag:s25] =	ssyncadd.s32 $0xFFFF8000  }
0x9a: {  	v3 =	vld [tilespmem:s28+$0xFFFFFFE0];
	_ =	sdelay $0x4  }
0x9b: {  	v4 =	vshll.u32 v3, $0x4  }
0x9c: {  	v3 =	vand.u32 $0x7, v3;
	v4 =	vand.u32 $0xFFFFFF80, v4  }
0x9d: {  	v3 =	vor.u32 v3, v4  }
0x9e: {  	v4 =	vperm.xlane v3, v0;
	_ =	sdelay $0x1  }
0x9f: {  	v4 =	vadd.s32 v1, v4;
	_ =	sdelay $0x3  }
0xa0: {  	s14 =	simm.s32 $0x200  }
0xa1: {  	[tilespmem:s14], [sflag:$0x1] =	stream.indirect_vreg.gather [hbm4b:s2+s3], $0x80, v4, vm0, $0xb8;
	[tilespmem:$0x18200] =	vst v63  }
0xa2: {  	s18 =	simm.s32 $0xA00  }
0xa3: {  	[tilespmem:s18], [sflag:$0x1] =	stream.indirect_vreg.gather [hbm4b:s5+s3], $0x80, v4, vm0, $0xb8;
	[tilespmem:$0x18200] =	vst v63  }
0xa4: {  	s18 =	simm.s32 $0x1200  }
0xa5: {  	[tilespmem:s18], [sflag:$0x1] =	stream.indirect_vreg.gather [hbm4b:s6+s3], $0x80, v4, vm0, $0xb8;
	[tilespmem:$0x18200] =	vst v63  }
0xa6: {  	s18 =	simm.s32 $0x1A00  }
0xa7: {  	[tilespmem:s18], [sflag:$0x1] =	stream.indirect_vreg.gather [hbm4b:s7+s3], $0x80, v4, vm0, $0xb8;
	[tilespmem:$0x18200] =	vst v63  }
0xa8: {  	s18 =	simm.s32 $0x2200  }
0xa9: {  	[tilespmem:s18], [sflag:$0x1] =	stream.indirect_vreg.gather [hbm4b:s8+s3], $0x80, v4, vm0, $0xb8;
	[tilespmem:$0x18200] =	vst v63  }
0xaa: {  	v3 =	vperm.xlane v3, v2;
	s18 =	simm.s32 $0x2A00  }
0xab: {  	[tilespmem:s18], [sflag:$0x1] =	stream.indirect_vreg.gather [hbm4b:s9+s3], $0x80, v4, vm0, $0xb8;
	[tilespmem:$0x18200] =	vst v63  }
0xac: {  	v3 =	vadd.s32 v1, v3;
	s18 =	simm.s32 $0x3200  }
0xad: {  	[tilespmem:s18], [sflag:$0x1] =	stream.indirect_vreg.gather [hbm4b:s10+s3], $0x80, v4, vm0, $0xb8;
	[tilespmem:$0x18200] =	vst v63  }
0xae: {  	s18 =	simm.s32 $0x3A00  }
0xaf: {  	[tilespmem:s18], [sflag:$0x1] =	stream.indirect_vreg.gather [hbm4b:s11+s3], $0x80, v4, vm0, $0xb8;
	[tilespmem:$0x18200] =	vst v63  }
0xb0: {  	s18 =	simm.s32 $0x4200  }
0xb1: {  	[tilespmem:s18], [sflag:$0x1] =	stream.indirect_vreg.gather [hbm4b:s2+s3], $0x80, v3, vm0, $0xb8;
	[tilespmem:$0x18200] =	vst v63  }
0xb2: {  	s18 =	simm.s32 $0x4A00  }
0xb3: {  	[tilespmem:s18], [sflag:$0x1] =	stream.indirect_vreg.gather [hbm4b:s5+s3], $0x80, v3, vm0, $0xb8;
	[tilespmem:$0x18200] =	vst v63  }
0xb4: {  	s18 =	simm.s32 $0x5200  }
0xb5: {  	[tilespmem:s18], [sflag:$0x1] =	stream.indirect_vreg.gather [hbm4b:s6+s3], $0x80, v3, vm0, $0xb8;
	[tilespmem:$0x18200] =	vst v63  }
0xb6: {  	s18 =	simm.s32 $0x5A00  }
0xb7: {  	[tilespmem:s18], [sflag:$0x1] =	stream.indirect_vreg.gather [hbm4b:s7+s3], $0x80, v3, vm0, $0xb8;
	[tilespmem:$0x18200] =	vst v63  }
0xb8: {  	s18 =	simm.s32 $0x6200  }
0xb9: {  	[tilespmem:s18], [sflag:$0x1] =	stream.indirect_vreg.gather [hbm4b:s8+s3], $0x80, v3, vm0, $0xb8;
	[tilespmem:$0x18200] =	vst v63  }
0xba: {  	s18 =	simm.s32 $0x6A00  }
0xbb: {  	[tilespmem:s18], [sflag:$0x1] =	stream.indirect_vreg.gather [hbm4b:s9+s3], $0x80, v3, vm0, $0xb8;
	[tilespmem:$0x18200] =	vst v63  }
0xbc: {  	s18 =	simm.s32 $0x7200  }
0xbd: {  	[tilespmem:s18], [sflag:$0x1] =	stream.indirect_vreg.gather [hbm4b:s10+s3], $0x80, v3, vm0, $0xb8;
	[tilespmem:$0x18200] =	vst v63  }
0xbe: {  	s18 =	simm.s32 $0x7A00  }
0xbf: {  	[tilespmem:s18], [sflag:$0x1] =	stream.indirect_vreg.gather [hbm4b:s11+s3], $0x80, v3, vm0, $0xb8;
	[tilespmem:$0x18200] =	vst v63  }
0xc0: {  	_ =	swait.ge [sflag:s15], $0x8000  }
0xc1: {  	[sflag:s15] =	ssyncset.done $0x0  }
0xc2: {  	s12 =	sadd.s32 $0x2000, s29;
	s18 =	simm.s32 $0x10200;
	[sflag:s15] =	ssyncadd.s32 $0xFFFF8000  }
0xc3: {  	[hbm4b:s12+s3] =	stream.linear.scatter [tilespmem:s18], [sflag:$0x6], $0x8000, $0x38;
	[tilespmem:$0x18200] =	vst v63  }
0xc4: {  	_ =	swait.ge [sflag:s26], $0x8000  }
0xc5: {  	[sflag:s26] =	ssyncset.done $0x0  }
0xc6: {  	[sflag:s26] =	ssyncadd.s32 $0xFFFF8000  }
0xc7: {  	v3 =	vld [tilespmem:s28+$0xFFFFFFF0];
	_ =	sdelay $0x4  }
0xc8: {  	v62 =	vshll.u32 v3, $0x4  }
0xc9: {  	v3 =	vand.u32 $0x7, v3;
	v4 =	vand.u32 $0xFFFFFF80, v62  }
0xca: {  	v3 =	vor.u32 v3, v4  }
0xcb: {  	v4 =	vperm.xlane v3, v0;
	_ =	sdelay $0x1  }
0xcc: {  	v4 =	vadd.s32 v1, v4;
	_ =	sdelay $0x4  }
0xcd: {  	[tilespmem:s1], [sflag:$0x2] =	stream.indirect_vreg.gather [hbm4b:s2+s3], $0x80, v4, vm0, $0xb8;
	[tilespmem:$0x18200] =	vst v63  }
0xce: {  	s1 =	simm.s32 $0x8A00  }
0xcf: {  	[tilespmem:s1], [sflag:$0x2] =	stream.indirect_vreg.gather [hbm4b:s5+s3], $0x80, v4, vm0, $0xb8;
	[tilespmem:$0x18200] =	vst v63  }
0xd0: {  	s1 =	simm.s32 $0x9200  }
0xd1: {  	[tilespmem:s1], [sflag:$0x2] =	stream.indirect_vreg.gather [hbm4b:s6+s3], $0x80, v4, vm0, $0xb8;
	[tilespmem:$0x18200] =	vst v63  }
0xd2: {  	s1 =	simm.s32 $0x9A00  }
0xd3: {  	[tilespmem:s1], [sflag:$0x2] =	stream.indirect_vreg.gather [hbm4b:s7+s3], $0x80, v4, vm0, $0xb8;
	[tilespmem:$0x18200] =	vst v63  }
0xd4: {  	s1 =	simm.s32 $0xA200  }
0xd5: {  	[tilespmem:s1], [sflag:$0x2] =	stream.indirect_vreg.gather [hbm4b:s8+s3], $0x80, v4, vm0, $0xb8;
	[tilespmem:$0x18200] =	vst v63  }
0xd6: {  	v3 =	vperm.xlane v3, v2;
	s1 =	simm.s32 $0xAA00  }
0xd7: {  	[tilespmem:s1], [sflag:$0x2] =	stream.indirect_vreg.gather [hbm4b:s9+s3], $0x80, v4, vm0, $0xb8;
	[tilespmem:$0x18200] =	vst v63  }
0xd8: {  	v3 =	vadd.s32 v1, v3;
	s1 =	simm.s32 $0xB200  }
0xd9: {  	[tilespmem:s1], [sflag:$0x2] =	stream.indirect_vreg.gather [hbm4b:s10+s3], $0x80, v4, vm0, $0xb8;
	[tilespmem:$0x18200] =	vst v63  }
0xda: {  	s1 =	simm.s32 $0xBA00  }
0xdb: {  	[tilespmem:s1], [sflag:$0x2] =	stream.indirect_vreg.gather [hbm4b:s11+s3], $0x80, v4, vm0, $0xb8;
	[tilespmem:$0x18200] =	vst v63  }
0xdc: {  	s1 =	simm.s32 $0xC200  }
0xdd: {  	[tilespmem:s1], [sflag:$0x2] =	stream.indirect_vreg.gather [hbm4b:s2+s3], $0x80, v3, vm0, $0xb8;
	[tilespmem:$0x18200] =	vst v63  }
0xde: {  	s1 =	simm.s32 $0xCA00  }
0xdf: {  	[tilespmem:s1], [sflag:$0x2] =	stream.indirect_vreg.gather [hbm4b:s5+s3], $0x80, v3, vm0, $0xb8;
	[tilespmem:$0x18200] =	vst v63  }
0xe0: {  	s1 =	simm.s32 $0xD200  }
0xe1: {  	[tilespmem:s1], [sflag:$0x2] =	stream.indirect_vreg.gather [hbm4b:s6+s3], $0x80, v3, vm0, $0xb8;
	[tilespmem:$0x18200] =	vst v63  }
0xe2: {  	s1 =	simm.s32 $0xDA00  }
0xe3: {  	[tilespmem:s1], [sflag:$0x2] =	stream.indirect_vreg.gather [hbm4b:s7+s3], $0x80, v3, vm0, $0xb8;
	[tilespmem:$0x18200] =	vst v63  }
0xe4: {  	s1 =	simm.s32 $0xE200  }
0xe5: {  	[tilespmem:s1], [sflag:$0x2] =	stream.indirect_vreg.gather [hbm4b:s8+s3], $0x80, v3, vm0, $0xb8;
	[tilespmem:$0x18200] =	vst v63  }
0xe6: {  	s1 =	simm.s32 $0xEA00  }
0xe7: {  	[tilespmem:s1], [sflag:$0x2] =	stream.indirect_vreg.gather [hbm4b:s9+s3], $0x80, v3, vm0, $0xb8;
	[tilespmem:$0x18200] =	vst v63  }
0xe8: {  	s1 =	simm.s32 $0xF200  }
0xe9: {  	[tilespmem:s1], [sflag:$0x2] =	stream.indirect_vreg.gather [hbm4b:s10+s3], $0x80, v3, vm0, $0xb8;
	[tilespmem:$0x18200] =	vst v63  }
0xea: {  	s1 =	simm.s32 $0xFA00  }
0xeb: {  	[tilespmem:s1], [sflag:$0x2] =	stream.indirect_vreg.gather [hbm4b:s11+s3], $0x80, v3, vm0, $0xb8;
	[tilespmem:$0x18200] =	vst v63  }
0xec: {  	_ =	swait.ge [sflag:s31], $0x8000  }
0xed: {  	[sflag:s31] =	ssyncset.done $0x0  }
0xee: {  	s1 =	sadd.s32 $0x3000, s29;
	[sflag:s31] =	ssyncadd.s32 $0xFFFF8000  }
0xef: {  	[hbm4b:s1+s3] =	stream.linear.scatter [tilespmem:s14], [sflag:$0x4], $0x8000, $0x38;
	[tilespmem:$0x18200] =	vst v63  }
0xf0: {  	_ =	swait.ge [sflag:s16], $0x8000  }
0xf1: {  	[sflag:s16] =	ssyncset.done $0x0  }
0xf2: {  	[sflag:s16] =	ssyncadd.s32 $0xFFFF8000  }
0xf3: {  	v3 =	vld [tilespmem:s28+$0x0];
	_ =	sdelay $0x4  }
0xf4: {  	v63 =	vshll.u32 v3, $0x4  }
0xf5: {  	v3 =	vand.u32 $0x7, v3;
	v4 =	vand.u32 $0xFFFFFF80, v63  }
0xf6: {  	v3 =	vor.u32 v3, v4  }
0xf7: {  	v4 =	vperm.xlane v3, v0;
	_ =	sdelay $0x1  }
0xf8: {  	v4 =	vadd.s32 v1, v4;
	_ =	sdelay $0x4  }
0xf9: {  	[tilespmem:s18], [sflag:$0x3] =	stream.indirect_vreg.gather [hbm4b:s2+s3], $0x80, v4, vm0, $0xb8;
	[tilespmem:$0x18200] =	vst v63  }
0xfa: {  	s29 =	simm.s32 $0x10A00  }
0xfb: {  	[tilespmem:s29], [sflag:$0x3] =	stream.indirect_vreg.gather [hbm4b:s5+s3], $0x80, v4, vm0, $0xb8;
	[tilespmem:$0x18200] =	vst v63  }
0xfc: {  	s18 =	simm.s32 $0x11200  }
0xfd: {  	[tilespmem:s18], [sflag:$0x3] =	stream.indirect_vreg.gather [hbm4b:s6+s3], $0x80, v4, vm0, $0xb8;
	[tilespmem:$0x18200] =	vst v63  }
0xfe: {  	s14 =	simm.s32 $0x11A00  }
0xff: {  	[tilespmem:s14], [sflag:$0x3] =	stream.indirect_vreg.gather [hbm4b:s7+s3], $0x80, v4, vm0, $0xb8;
	[tilespmem:$0x18200] =	vst v63  }
0x100: {  	s18 =	simm.s32 $0x12200  }
0x101: {  	[tilespmem:s18], [sflag:$0x3] =	stream.indirect_vreg.gather [hbm4b:s8+s3], $0x80, v4, vm0, $0xb8;
	[tilespmem:$0x18200] =	vst v63  }
0x102: {  	v3 =	vperm.xlane v3, v2;
	s14 =	simm.s32 $0x12A00  }
0x103: {  	[tilespmem:s14], [sflag:$0x3] =	stream.indirect_vreg.gather [hbm4b:s9+s3], $0x80, v4, vm0, $0xb8;
	[tilespmem:$0x18200] =	vst v63  }
0x104: {  	v3 =	vadd.s32 v1, v3;
	s18 =	simm.s32 $0x13200  }
0x105: {  	[tilespmem:s18], [sflag:$0x3] =	stream.indirect_vreg.gather [hbm4b:s10+s3], $0x80, v4, vm0, $0xb8;
	[tilespmem:$0x18200] =	vst v63  }
0x106: {  	_ = 	snop  }
0x107: {  	[tilespmem:s22], [sflag:$0x3] =	stream.indirect_vreg.gather [hbm4b:s11+s3], $0x80, v4, vm0, $0xb8;
	[tilespmem:$0x18200] =	vst v63  }
0x108: {  	_ = 	snop  }
0x109: {  	[tilespmem:s23], [sflag:$0x3] =	stream.indirect_vreg.gather [hbm4b:s2+s3], $0x80, v3, vm0, $0xb8;
	[tilespmem:$0x18200] =	vst v63  }
0x10a: {  	_ = 	snop  }
0x10b: {  	[tilespmem:s4], [sflag:$0x3] =	stream.indirect_vreg.gather [hbm4b:s5+s3], $0x80, v3, vm0, $0xb8;
	[tilespmem:$0x18200] =	vst v63  }
0x10c: {  	_ = 	snop  }
0x10d: {  	[tilespmem:s24], [sflag:$0x3] =	stream.indirect_vreg.gather [hbm4b:s6+s3], $0x80, v3, vm0, $0xb8;
	[tilespmem:$0x18200] =	vst v63  }
0x10e: {  	_ = 	snop  }
0x10f: {  	[tilespmem:s19], [sflag:$0x3] =	stream.indirect_vreg.gather [hbm4b:s7+s3], $0x80, v3, vm0, $0xb8;
	[tilespmem:$0x18200] =	vst v63  }
0x110: {  	_ = 	snop  }
0x111: {  	[tilespmem:s20], [sflag:$0x3] =	stream.indirect_vreg.gather [hbm4b:s8+s3], $0x80, v3, vm0, $0xb8;
	[tilespmem:$0x18200] =	vst v63  }
0x112: {  	p0 =	sne.s32 s17, $0x18000  }
0x113: {  	[tilespmem:s21], [sflag:$0x3] =	stream.indirect_vreg.gather [hbm4b:s9+s3], $0x80, v3, vm0, $0xb8;
	[tilespmem:$0x18200] =	vst v63  }
.Ltmp0:
0x114: {  	_ = 	snop;
	(pc) =	sbr.rel @p0 .LBB2_2-.Ltmp0, $4  }
0x115: {  	_ = 	snop  }
0x116: {  	[tilespmem:s0], [sflag:$0x3] =	stream.indirect_vreg.gather [hbm4b:s10+s3], $0x80, v3, vm0, $0xb8;
	[tilespmem:$0x18200] =	vst v63  }
0x117: {  	s17 =	sadd.s32 $0x3000, s17;
	s1 =	simm.s32 $0x10200;
	s28 =	sadd.s32 $0x30, s28  }
0x118: {  	[tilespmem:s30], [sflag:$0x3] =	stream.indirect_vreg.gather [hbm4b:s11+s3], $0x80, v3, vm0, $0xb8;
	[tilespmem:$0x18200] =	vst v63  }
0x119: {  	_ =	swait.ge [sflag:s13], $0x8000  }
0x11a: {  	[sflag:s13] =	ssyncset.done $0x0  }
0x11b: {  	s4 =	simm.s32 $0x8200;
	s12 =	rddreg [dreg:$0x7];
	[sflag:s13] =	ssyncadd.s32 $0xFFFF8000  }
0x11c: {  	[hbm4b:s12+s3] =	stream.linear.scatter [tilespmem:s4], [sflag:$0x5], $0x8000, $0x38;
	[tilespmem:$0x18200] =	vst v63  }
0x11d: {  	_ =	swait.ge [sflag:s25], $0x8000  }
0x11e: {  	[sflag:s25] =	ssyncset.done $0x0  }
0x11f: {  	[sflag:s25] =	ssyncadd.s32 $0xFFFF8000  }
0x120: {  	v3 =	vld [tilespmem:$0x1E0];
	_ =	sdelay $0x4  }
0x121: {  	v4 =	vshll.u32 v3, $0x4  }
0x122: {  	v3 =	vand.u32 $0x7, v3;
	v4 =	vand.u32 $0xFFFFFF80, v4  }
0x123: {  	v3 =	vor.u32 v3, v4  }
0x124: {  	v4 =	vperm.xlane v3, v0;
	_ =	sdelay $0x1  }
0x125: {  	v4 =	vadd.s32 v1, v4;
	_ =	sdelay $0x3  }
0x126: {  	s0 =	simm.s32 $0x200  }
0x127: {  	[tilespmem:s0], [sflag:$0x1] =	stream.indirect_vreg.gather [hbm4b:s2+s3], $0x80, v4, vm0, $0xb8;
	[tilespmem:$0x18200] =	vst v63  }
0x128: {  	s18 =	simm.s32 $0xA00  }
0x129: {  	[tilespmem:s18], [sflag:$0x1] =	stream.indirect_vreg.gather [hbm4b:s5+s3], $0x80, v4, vm0, $0xb8;
	[tilespmem:$0x18200] =	vst v63  }
0x12a: {  	s19 =	simm.s32 $0x1200  }
0x12b: {  	[tilespmem:s19], [sflag:$0x1] =	stream.indirect_vreg.gather [hbm4b:s6+s3], $0x80, v4, vm0, $0xb8;
	[tilespmem:$0x18200] =	vst v63  }
0x12c: {  	s20 =	simm.s32 $0x1A00  }
0x12d: {  	[tilespmem:s20], [sflag:$0x1] =	stream.indirect_vreg.gather [hbm4b:s7+s3], $0x80, v4, vm0, $0xb8;
	[tilespmem:$0x18200] =	vst v63  }
0x12e: {  	s21 =	simm.s32 $0x2200  }
0x12f: {  	[tilespmem:s21], [sflag:$0x1] =	stream.indirect_vreg.gather [hbm4b:s8+s3], $0x80, v4, vm0, $0xb8;
	[tilespmem:$0x18200] =	vst v63  }
0x130: {  	s22 =	simm.s32 $0x2A00;
	v3 =	vperm.xlane v3, v2  }
0x131: {  	[tilespmem:s22], [sflag:$0x1] =	stream.indirect_vreg.gather [hbm4b:s9+s3], $0x80, v4, vm0, $0xb8;
	[tilespmem:$0x18200] =	vst v63  }
0x132: {  	s23 =	simm.s32 $0x3200;
	v3 =	vadd.s32 v1, v3  }
0x133: {  	[tilespmem:s23], [sflag:$0x1] =	stream.indirect_vreg.gather [hbm4b:s10+s3], $0x80, v4, vm0, $0xb8;
	[tilespmem:$0x18200] =	vst v63  }
0x134: {  	s24 =	simm.s32 $0x3A00  }
0x135: {  	[tilespmem:s24], [sflag:$0x1] =	stream.indirect_vreg.gather [hbm4b:s11+s3], $0x80, v4, vm0, $0xb8;
	[tilespmem:$0x18200] =	vst v63  }
0x136: {  	s14 =	simm.s32 $0x4200  }
0x137: {  	[tilespmem:s14], [sflag:$0x1] =	stream.indirect_vreg.gather [hbm4b:s2+s3], $0x80, v3, vm0, $0xb8;
	[tilespmem:$0x18200] =	vst v63  }
0x138: {  	s17 =	simm.s32 $0x4A00  }
0x139: {  	[tilespmem:s17], [sflag:$0x1] =	stream.indirect_vreg.gather [hbm4b:s5+s3], $0x80, v3, vm0, $0xb8;
	[tilespmem:$0x18200] =	vst v63  }
0x13a: {  	s18 =	simm.s32 $0x5200  }
0x13b: {  	[tilespmem:s18], [sflag:$0x1] =	stream.indirect_vreg.gather [hbm4b:s6+s3], $0x80, v3, vm0, $0xb8;
	[tilespmem:$0x18200] =	vst v63  }
0x13c: {  	s19 =	simm.s32 $0x5A00  }
0x13d: {  	[tilespmem:s19], [sflag:$0x1] =	stream.indirect_vreg.gather [hbm4b:s7+s3], $0x80, v3, vm0, $0xb8;
	[tilespmem:$0x18200] =	vst v63  }
0x13e: {  	s20 =	simm.s32 $0x6200  }
0x13f: {  	[tilespmem:s20], [sflag:$0x1] =	stream.indirect_vreg.gather [hbm4b:s8+s3], $0x80, v3, vm0, $0xb8;
	[tilespmem:$0x18200] =	vst v63  }
0x140: {  	s21 =	simm.s32 $0x6A00  }
0x141: {  	[tilespmem:s21], [sflag:$0x1] =	stream.indirect_vreg.gather [hbm4b:s9+s3], $0x80, v3, vm0, $0xb8;
	[tilespmem:$0x18200] =	vst v63  }
0x142: {  	s22 =	simm.s32 $0x7200  }
0x143: {  	[tilespmem:s22], [sflag:$0x1] =	stream.indirect_vreg.gather [hbm4b:s10+s3], $0x80, v3, vm0, $0xb8;
	[tilespmem:$0x18200] =	vst v63  }
0x144: {  	s23 =	simm.s32 $0x7A00  }
0x145: {  	[tilespmem:s23], [sflag:$0x1] =	stream.indirect_vreg.gather [hbm4b:s11+s3], $0x80, v3, vm0, $0xb8;
	[tilespmem:$0x18200] =	vst v63  }
0x146: {  	_ =	swait.ge [sflag:s15], $0x8000  }
0x147: {  	[sflag:s15] =	ssyncset.done $0x0  }
0x148: {  	s24 =	rddreg [dreg:$0x8];
	[sflag:s15] =	ssyncadd.s32 $0xFFFF8000  }
0x149: {  	[hbm4b:s24+s3] =	stream.linear.scatter [tilespmem:s1], [sflag:$0x6], $0x8000, $0x38;
	[tilespmem:$0x18200] =	vst v63  }
0x14a: {  	_ =	swait.ge [sflag:s26], $0x8000  }
0x14b: {  	[sflag:s26] =	ssyncset.done $0x0  }
0x14c: {  	[sflag:s26] =	ssyncadd.s32 $0xFFFF8000  }
0x14d: {  	v3 =	vld [tilespmem:$0x1F0];
	_ =	sdelay $0x4  }
0x14e: {  	v63 =	vshll.u32 v3, $0x4  }
0x14f: {  	v3 =	vand.u32 $0x7, v3;
	v4 =	vand.u32 $0xFFFFFF80, v63  }
0x150: {  	v3 =	vor.u32 v3, v4  }
0x151: {  	v4 =	vperm.xlane v3, v0;
	_ =	sdelay $0x1  }
0x152: {  	v4 =	vadd.s32 v1, v4;
	_ =	sdelay $0x4  }
0x153: {  	[tilespmem:s4], [sflag:$0x2] =	stream.indirect_vreg.gather [hbm4b:s2+s3], $0x80, v4, vm0, $0xb8;
	[tilespmem:$0x18200] =	vst v63  }
0x154: {  	s14 =	simm.s32 $0x8A00  }
0x155: {  	[tilespmem:s14], [sflag:$0x2] =	stream.indirect_vreg.gather [hbm4b:s5+s3], $0x80, v4, vm0, $0xb8;
	[tilespmem:$0x18200] =	vst v63  }
0x156: {  	s17 =	simm.s32 $0x9200  }
0x157: {  	[tilespmem:s17], [sflag:$0x2] =	stream.indirect_vreg.gather [hbm4b:s6+s3], $0x80, v4, vm0, $0xb8;
	[tilespmem:$0x18200] =	vst v63  }
0x158: {  	s18 =	simm.s32 $0x9A00  }
0x159: {  	[tilespmem:s18], [sflag:$0x2] =	stream.indirect_vreg.gather [hbm4b:s7+s3], $0x80, v4, vm0, $0xb8;
	[tilespmem:$0x18200] =	vst v63  }
0x15a: {  	s19 =	simm.s32 $0xA200  }
0x15b: {  	[tilespmem:s19], [sflag:$0x2] =	stream.indirect_vreg.gather [hbm4b:s8+s3], $0x80, v4, vm0, $0xb8;
	[tilespmem:$0x18200] =	vst v63  }
0x15c: {  	s20 =	simm.s32 $0xAA00;
	v3 =	vperm.xlane v3, v2  }
0x15d: {  	[tilespmem:s20], [sflag:$0x2] =	stream.indirect_vreg.gather [hbm4b:s9+s3], $0x80, v4, vm0, $0xb8;
	[tilespmem:$0x18200] =	vst v63  }
0x15e: {  	s21 =	simm.s32 $0xB200;
	v3 =	vadd.s32 v1, v3  }
0x15f: {  	[tilespmem:s21], [sflag:$0x2] =	stream.indirect_vreg.gather [hbm4b:s10+s3], $0x80, v4, vm0, $0xb8;
	[tilespmem:$0x18200] =	vst v63  }
0x160: {  	s22 =	simm.s32 $0xBA00  }
0x161: {  	[tilespmem:s22], [sflag:$0x2] =	stream.indirect_vreg.gather [hbm4b:s11+s3], $0x80, v4, vm0, $0xb8;
	[tilespmem:$0x18200] =	vst v63  }
0x162: {  	s23 =	simm.s32 $0xC200  }
0x163: {  	[tilespmem:s23], [sflag:$0x2] =	stream.indirect_vreg.gather [hbm4b:s2+s3], $0x80, v3, vm0, $0xb8;
	[tilespmem:$0x18200] =	vst v63  }
0x164: {  	s24 =	simm.s32 $0xCA00  }
0x165: {  	[tilespmem:s24], [sflag:$0x2] =	stream.indirect_vreg.gather [hbm4b:s5+s3], $0x80, v3, vm0, $0xb8;
	[tilespmem:$0x18200] =	vst v63  }
0x166: {  	s14 =	simm.s32 $0xD200  }
0x167: {  	[tilespmem:s14], [sflag:$0x2] =	stream.indirect_vreg.gather [hbm4b:s6+s3], $0x80, v3, vm0, $0xb8;
	[tilespmem:$0x18200] =	vst v63  }
0x168: {  	s17 =	simm.s32 $0xDA00  }
0x169: {  	[tilespmem:s17], [sflag:$0x2] =	stream.indirect_vreg.gather [hbm4b:s7+s3], $0x80, v3, vm0, $0xb8;
	[tilespmem:$0x18200] =	vst v63  }
0x16a: {  	s18 =	simm.s32 $0xE200  }
0x16b: {  	[tilespmem:s18], [sflag:$0x2] =	stream.indirect_vreg.gather [hbm4b:s8+s3], $0x80, v3, vm0, $0xb8;
	[tilespmem:$0x18200] =	vst v63  }
0x16c: {  	s19 =	simm.s32 $0xEA00  }
0x16d: {  	[tilespmem:s19], [sflag:$0x2] =	stream.indirect_vreg.gather [hbm4b:s9+s3], $0x80, v3, vm0, $0xb8;
	[tilespmem:$0x18200] =	vst v63  }
0x16e: {  	s20 =	simm.s32 $0xF200  }
0x16f: {  	[tilespmem:s20], [sflag:$0x2] =	stream.indirect_vreg.gather [hbm4b:s10+s3], $0x80, v3, vm0, $0xb8;
	[tilespmem:$0x18200] =	vst v63  }
0x170: {  	s21 =	simm.s32 $0xFA00  }
0x171: {  	[tilespmem:s21], [sflag:$0x2] =	stream.indirect_vreg.gather [hbm4b:s11+s3], $0x80, v3, vm0, $0xb8;
	[tilespmem:$0x18200] =	vst v63  }
0x172: {  	_ =	swait.ge [sflag:s31], $0x8000  }
0x173: {  	[sflag:s31] =	ssyncset.done $0x0  }
0x174: {  	s22 =	rddreg [dreg:$0x9];
	[sflag:s31] =	ssyncadd.s32 $0xFFFF8000  }
0x175: {  	[hbm4b:s22+s3] =	stream.linear.scatter [tilespmem:s0], [sflag:$0x4], $0x8000, $0x38;
	[tilespmem:$0x18200] =	vst v63  }
0x176: {  	_ =	swait.ge [sflag:s13], $0x8000  }
0x177: {  	[sflag:s13] =	ssyncset.done $0x0  }
0x178: {  	s23 =	rddreg [dreg:$0xa];
	[sflag:s13] =	ssyncadd.s32 $0xFFFF8000  }
0x179: {  	[hbm4b:s23+s3] =	stream.linear.scatter [tilespmem:s4], [sflag:$0x5], $0x8000, $0x38;
	[tilespmem:$0x18200] =	vst v63  }
0x17a: {  	_ =	swait.ge [sflag:s16], $0x8000  }
0x17b: {  	[sflag:s16] =	ssyncset.done $0x0  }
0x17c: {  	[sflag:s16] =	ssyncadd.s32 $0xFFFF8000  }
0x17d: {  	_ =	swait.ge [sflag:s25], $0x8000  }
0x17e: {  	[sflag:s25] =	ssyncset.done $0x0  }
0x17f: {  	[sflag:s25] =	ssyncadd.s32 $0xFFFF8000  }
0x180: {  	_ =	swait.ge [sflag:s26], $0x8000  }
0x181: {  	s28 =	rddreg [dreg:$0xc]  }
0x182: {  	s24 =	rddreg [dreg:$0xb];
	s28 =	sadd.s32 $0x1, s28  }
0x183: {  	p0 =	sne.s32 s28, s24  }
.Ltmp1:
0x184: {  	s30 =	simm.s32 $0x16200;
	s14 =	simm.s32 $0x8200;
	(pc) =	sbr.rel @p0 .LBB2_1-.Ltmp1, $4  }
0x185: {  	s17 =	simm.s32 $0x11200;
	s18 =	simm.s32 $0x11A00;
	s19 =	simm.s32 $0x15A00  }
0x186: {  	s20 =	simm.s32 $0x12200;
	s21 =	simm.s32 $0x12A00;
	s0 =	simm.s32 $0x13200  }
0x187: {  	s22 =	simm.s32 $0x13A00;
	s23 =	simm.s32 $0x14200;
	[sflag:s26] =	ssyncset.done $0x0  }
0x188: {  	s4 =	simm.s32 $0x14A00;
	[sflag:s26] =	ssyncadd.s32 $0xFFFF8000;
	s24 =	simm.s32 $0x15200  }
0x189: {  	_ =	sfence.sel $0x180000  }
0x18a: {  	[bflag:$0x0] =	sbarrier.arrive $0xFFFF  }
0x18b: {  	_ =	strace $0x90000047  }
0x18c: {  	s0 =	stileid.u32;
	[bflag:$0x2] =	sbarrier.arrive $0xFFFF  }
0x18d: {  	p0 =	sne.s32 s0, $0x0;
	s0 =	rddreg [dreg:$0x3]  }
0x18e: {  	s0 =	sadd.s32 @!p0 $0x100000, s0  }
0x18f: {  	[sflag:s0] =	ssyncadd.tile.s32 @!p0 $0x1;
	_ =	shalt  }
.Lfunc_end2:
_tile_overlayer_lowered:
.L_overlay_start_2:
0x190: {  	(tag) =	ssettag $0x2  }
0x191: {  	s0 =	rddreg [dreg:$0x0];
	s2 =	stileid.u32  }
0x192: {  	s1 =	rddreg [dreg:$0x1];
	p0 =	sne.s32 s2, $0x0  }
0x193: {  	s3 =	rddreg [dreg:$0x2];
	[bflag:$0x3] =	sbarrier.arrive $0xFFFF;
	s2 =	simm.s32 @!p0 $0x1C07  }
0x194: {  	[timem:s3], [sflag:s2] =	dma.local @!p0 [hbm:s0], s1  }
0x195: {  	s0 =	simm.s32 @!p0 $0x7  }
0x196: {  	_ =	swait.ge @!p0 [sflag:s0], s1  }
0x197: {  	s1 =	ssub.s32 @!p0 $0x0, s1;
	[sflag:s0] =	ssyncset.done @!p0 $0x0  }
0x198: {  	[sflag:s0] =	ssyncadd.s32 @!p0 s1  }
0x199: {  	[bflag:$0x3] =	sbarrier.arrive $0xFFFF  }
0x19a: {  	_ =	shalt  }

</sc_bundles>
